<compile_context>
chip_gen: v7x
topology: tpu7x:2x2x1
jax: 0.10.2.dev20260603
libtpu: 0.0.44.dev20260713+nightly
codegen_flags: <defaults>
</compile_context>

<pallas_src>
import functools

import jax
import jax.numpy as jnp
from jax import lax
from jax.experimental import pallas as pl
from jax.experimental.pallas import tpu as pltpu
from jax.experimental.pallas import tpu_sc as plsc

N = 10000
E = 320000
F_IN = 128
H = 64
B = 64

NC = 2
NS = 16
NW = NC * NS
CH = 80
EPW = E // NW
NP = 10240
NPW = NP // NS
NIT = EPW // CH


def _deg_body(eidx_hbm, ones_hbm, zeros_hbm, out_hbm, didx_all, ones_v, acc, sem):
    c = lax.axis_index("c")
    s = lax.axis_index("s")
    w = c * NS + s
    pltpu.sync_copy(zeros_hbm.at[pl.ds(s * NPW, NPW)], acc.at[pl.ds(s * NPW, NPW)])
    pltpu.sync_copy(eidx_hbm.at[1].at[pl.ds(w * NIT, NIT)], didx_all)
    pltpu.sync_copy(ones_hbm, ones_v)
    plsc.subcore_barrier()

    def body(i, carry):
        pltpu.async_copy(ones_v, acc.at[didx_all.at[i]], sem, add=True)
        return carry

    lax.fori_loop(0, NIT, body, 0)

    def drain(i, carry):
        pltpu.make_async_copy(ones_v, acc.at[didx_all.at[i]], sem).wait()
        return carry

    lax.fori_loop(0, NIT, drain, 0)
    plsc.subcore_barrier()
    pltpu.sync_copy(acc.at[pl.ds(s * NPW, NPW)],
                    out_hbm.at[c].at[pl.ds(s * NPW, NPW)])




def _agg_body(hs_hbm, eidx_hbm, zeros_hbm, out_hbm,
              sidx_all, didx_all, rows0, rows1, hs_s, acc, sem0, sem1):
    c = lax.axis_index("c")
    s = lax.axis_index("s")
    w = c * NS + s
    pltpu.sync_copy(zeros_hbm.at[pl.ds(s * NPW, NPW)], acc.at[pl.ds(s * NPW, NPW)])
    pltpu.sync_copy(hs_hbm.at[pl.ds(s * NPW, NPW)], hs_s.at[pl.ds(s * NPW, NPW)])
    pltpu.sync_copy(eidx_hbm.at[0].at[pl.ds(w * NIT, NIT)], sidx_all)
    pltpu.sync_copy(eidx_hbm.at[1].at[pl.ds(w * NIT, NIT)], didx_all)
    plsc.subcore_barrier()

    def wait_gather(buf, sem):
        pltpu.make_async_copy(hs_s.at[sidx_all.at[0]], buf, sem).wait()

    pltpu.async_copy(hs_s.at[sidx_all.at[0]], rows0, sem0)

    def body(i, carry):
        even = lax.rem(i, 2) == 0

        @pl.when(even)
        def _():
            wait_gather(rows0, sem0)

            @pl.when(i + 1 < NIT)
            def _():
                pltpu.async_copy(hs_s.at[sidx_all.at[i + 1]], rows1, sem1)

            pltpu.sync_copy(rows0, acc.at[didx_all.at[i]], add=True)

        @pl.when(jnp.logical_not(even))
        def _():
            wait_gather(rows1, sem1)

            @pl.when(i + 1 < NIT)
            def _():
                pltpu.async_copy(hs_s.at[sidx_all.at[i + 1]], rows0, sem0)

            pltpu.sync_copy(rows1, acc.at[didx_all.at[i]], add=True)

        return carry

    lax.fori_loop(0, NIT, body, 0)
    plsc.subcore_barrier()
    pltpu.sync_copy(acc.at[pl.ds(s * NPW, NPW)],
                    out_hbm.at[c].at[pl.ds(s * NPW, NPW)])


@functools.cache
def _sc_calls():
    mesh = plsc.VectorSubcoreMesh(
        core_axis_name="c", subcore_axis_name="s",
        num_cores=NC, num_subcores=NS)
    params = pltpu.CompilerParams(use_tc_tiling_on_sc=False)
    deg_call = pl.kernel(
        _deg_body,
        out_type=jax.ShapeDtypeStruct((NC, NP, 16), jnp.float32),
        mesh=mesh,
        compiler_params=params,
        scratch_types=[
            pltpu.VMEM((NIT, CH), jnp.int32),
            pltpu.VMEM((CH, 16), jnp.float32),
            pltpu.VMEM_SHARED((NP, 16), jnp.float32),
            pltpu.SemaphoreType.DMA,
        ],
    )
    agg_call = pl.kernel(
        _agg_body,
        out_type=jax.ShapeDtypeStruct((NC, NP, H), jnp.float32),
        mesh=mesh,
        compiler_params=params,
        scratch_types=[
            pltpu.VMEM((NIT, CH), jnp.int32),
            pltpu.VMEM((NIT, CH), jnp.int32),
            pltpu.VMEM((CH, H), jnp.float32),
            pltpu.VMEM((CH, H), jnp.float32),
            pltpu.VMEM_SHARED((NP, H), jnp.float32),
            pltpu.VMEM_SHARED((NP, H), jnp.float32),
            pltpu.SemaphoreType.DMA,
            pltpu.SemaphoreType.DMA,
        ],
    )
    return deg_call, agg_call



def _dot(a, b):
    return lax.dot_general(a, b, (((1,), (0,)), ((), ())),
                           preferred_element_type=jnp.float32)


def _prep_body(x_ref, dega_ref, degb_ref, w_ref, dinv_ref, hs_ref):
    deg = dega_ref[0:N, 0:1] + degb_ref[0:N, 0:1] + 1.0
    dinv = lax.rsqrt(deg)
    dinv_ref[...] = dinv
    hs_ref[0:N, :] = dinv * _dot(x_ref[...], w_ref[...])


def _update_body(acc_ref, hs_ref, dinv_ref, b_ref, w_ref, out_ref):
    dinv = dinv_ref[...]
    t = jnp.tanh(dinv * (acc_ref[0, 0:N, :] + acc_ref[1, 0:N, :]
                         + hs_ref[0:N, :]) + b_ref[...])
    out_ref[0:N, :] = dinv * _dot(t, w_ref[...])


WIN = 1024
NT = 11264


def _final_body(acc_ref, hs_ref, dinv_ref, b_ref, batch_ref, batchr_ref,
                starts_ref, wout_ref, bout_ref, out_ref, t_ref, gmax_ref):
    dinv = dinv_ref[...]
    t_ref[0:N, :] = jnp.tanh(
        dinv * (acc_ref[0, 0:N, :] + acc_ref[1, 0:N, :]
                + hs_ref[0:N, :]) + b_ref[...])

    oh = (batchr_ref[...] ==
          lax.broadcasted_iota(jnp.int32, (B, N), 0)).astype(jnp.float32)
    gsum = _dot(oh, t_ref[0:N, :])
    cnt = _dot(oh, jnp.ones((N, 1), jnp.float32))

    def seg(b, carry):
        s0 = starts_ref[b]
        e0 = starts_ref[b + 1]
        w0 = 8 * lax.div(s0, 8)
        nch = lax.div(e0 - w0 + (WIN - 1), WIN)

        def chunk(j, acc):
            off = pl.multiple_of(w0 + j * WIN, 8)
            tw = t_ref[pl.ds(off, WIN), :]
            mask = batch_ref[pl.ds(off, WIN), :] == b
            return jnp.maximum(
                acc, jnp.max(jnp.where(mask, tw, -1e30), axis=0, keepdims=True))

        acc = lax.fori_loop(0, nch, chunk,
                            jnp.full((1, H), -1e30, jnp.float32))
        gmax_ref[pl.ds(b, 1), :] = acc
        return carry

    lax.fori_loop(0, B, seg, 0)
    gmean = gsum / jnp.maximum(cnt, 1.0)
    pooled = jnp.concatenate([gmax_ref[...], gmean], axis=1)
    out_ref[...] = _dot(pooled, wout_ref[...]) + bout_ref[...]


_prep_call = pl.pallas_call(
    _prep_body,
    out_shape=[jax.ShapeDtypeStruct((N, 1), jnp.float32),
               jax.ShapeDtypeStruct((NP, H), jnp.float32)],
)

_update_call = pl.pallas_call(
    _update_body,
    out_shape=jax.ShapeDtypeStruct((NP, H), jnp.float32),
)

_final_call = pl.pallas_call(
    _final_body,
    out_shape=jax.ShapeDtypeStruct((B, 1), jnp.float32),
    in_specs=[pl.BlockSpec(), pl.BlockSpec(), pl.BlockSpec(), pl.BlockSpec(),
              pl.BlockSpec(), pl.BlockSpec(),
              pl.BlockSpec(memory_space=pltpu.SMEM),
              pl.BlockSpec(), pl.BlockSpec()],
    scratch_shapes=[
        pltpu.VMEM((NT, H), jnp.float32),
        pltpu.VMEM((B, H), jnp.float32),
    ],
)



def kernel(x, edge_index, batch_index, W0, b0, W1, b1, W2, b2, W_out, b_out):
    eidx = edge_index.reshape(2, E // CH, CH)
    zeros_h = jnp.zeros((NP, H), jnp.float32)
    zeros_16 = jnp.zeros((NP, 16), jnp.float32)
    ones_16 = jnp.ones((CH, 16), jnp.float32)

    deg_call, agg_call = _sc_calls()

    deg = deg_call(eidx, ones_16, zeros_16)
    dinv, hs = _prep_call(x, deg[0], deg[1], W0)

    acc = agg_call(hs, eidx, zeros_h)
    hs = _update_call(acc, hs, dinv, b0.reshape(1, H), W1)

    acc = agg_call(hs, eidx, zeros_h)
    hs = _update_call(acc, hs, dinv, b1.reshape(1, H), W2)

    acc = agg_call(hs, eidx, zeros_h)
    starts = jnp.searchsorted(
        batch_index, jnp.arange(B + 1, dtype=jnp.int32)).astype(jnp.int32)
    batch_nt = jnp.concatenate(
        [batch_index, jnp.full((NT - N,), -1, jnp.int32)]).reshape(NT, 1)
    out = _final_call(acc, hs, dinv, b2.reshape(1, H), batch_nt,
                      batch_index.reshape(1, N), starts,
                      W_out, b_out.reshape(1, 1))
    return out

# --- scband reference (transcript-rebuilt; emitter-appended) ---
"""Pipeline reference for scband-gcn-loop-43739946943353 (READ-ONLY COPY).

The authoritative reference and input builder live on the scoring server;
editing this copy changes nothing except your own understanding.
"""

import jax, jax.numpy as jnp
import numpy as np

N = 10000
E = 320000
F_IN = 128
H = 64
B = 64


def _gcn_conv(x, src, dst, W, b, num_nodes):
    # GCNConv (improved=False): add self-loops, symmetric normalization, sum aggregate
    loop = jnp.arange(num_nodes)
    s = jnp.concatenate([src, loop])
    d = jnp.concatenate([dst, loop])
    deg = jnp.zeros((num_nodes,), dtype=x.dtype).at[d].add(1.0)
    dinv = jnp.where(deg > 0, jax.lax.rsqrt(deg), 0.0)
    norm = dinv[s] * dinv[d]
    h = x @ W
    msg = h[s] * norm[:, None]
    out = jnp.zeros((num_nodes, W.shape[1]), dtype=x.dtype).at[d].add(msg)
    return out + b


def setup_inputs(seed: int = 0) -> dict:
    key = jax.random.key(seed)
    ks = jax.random.split(key, 12)
    x = jax.random.normal(ks[0], (N, F_IN), dtype=jnp.float32)
    edge_index = jax.random.randint(ks[1], (2, E), 0, N, dtype=jnp.int32)
    batch_index = jnp.sort(jax.random.randint(ks[2], (N,), 0, B, dtype=jnp.int32))
    # learned parameters (glorot-ish scale)
    W0 = jax.random.normal(ks[3], (F_IN, H), dtype=jnp.float32) * (1.0 / np.sqrt(F_IN))
    b0 = jnp.zeros((H,), dtype=jnp.float32)
    W1 = jax.random.normal(ks[4], (H, H), dtype=jnp.float32) * (1.0 / np.sqrt(H))
    b1 = jnp.zeros((H,), dtype=jnp.float32)
    W2 = jax.random.normal(ks[5], (H, H), dtype=jnp.float32) * (1.0 / np.sqrt(H))
    b2 = jnp.zeros((H,), dtype=jnp.float32)
    W_out = jax.random.normal(ks[6], (2 * H, 1), dtype=jnp.float32) * (1.0 / np.sqrt(2 * H))
    b_out = jnp.zeros((1,), dtype=jnp.float32)
    return {"x": x, "edge_index": edge_index, "batch_index": batch_index,
            "W0": W0, "b0": b0, "W1": W1, "b1": b1, "W2": W2, "b2": b2,
            "W_out": W_out, "b_out": b_out}


def reference(x, edge_index, batch_index, W0, b0, W1, b1, W2, b2, W_out, b_out):
    src = edge_index[0]
    dst = edge_index[1]
    h = _gcn_conv(x, src, dst, W0, b0, N)
    h = jnp.tanh(h)
    h = _gcn_conv(h, src, dst, W1, b1, N)
    h = jnp.tanh(h)
    h = _gcn_conv(h, src, dst, W2, b2, N)
    h = jnp.tanh(h)
    gmax = jax.ops.segment_max(h, batch_index, num_segments=B)
    gsum = jax.ops.segment_sum(h, batch_index, num_segments=B)
    cnt = jax.ops.segment_sum(jnp.ones((N, 1), dtype=h.dtype), batch_index, num_segments=B)
    gmean = gsum / jnp.maximum(cnt, 1.0)
    pooled = jnp.concatenate([gmax, gmean], axis=1)
    out = pooled @ W_out + b_out
    return out

if __name__ == "__main__":
    import jax
    _d = setup_inputs()
    print(jax.jit(kernel)(*tuple(_d.values())))

</pallas_src>

<mosaic_0001>
#map = affine_map<(d0, d1) -> (0, 0)>
#map1 = affine_map<(d0, d1) -> (0, 0, 0)>
module attributes {stable_mosaic.version = 14 : i64} {
  func.func @_agg_body(%arg0: i32, %arg1: i32, %arg2: memref<10240x64xf32, #tpu.memory_space<hbm>>, %arg3: memref<2x4000x80xi32, #tpu.memory_space<hbm>>, %arg4: memref<10240x64xf32, #tpu.memory_space<hbm>>, %arg5: memref<2x10240x64xf32, #tpu.memory_space<hbm>>, %arg6: memref<125x80xi32, #tpu.memory_space<vmem>>, %arg7: memref<125x80xi32, #tpu.memory_space<vmem>>, %arg8: memref<80x64xf32, #tpu.memory_space<vmem>>, %arg9: memref<80x64xf32, #tpu.memory_space<vmem>>, %arg10: memref<10240x64xf32, #tpu.memory_space<vmem_shared>>, %arg11: memref<10240x64xf32, #tpu.memory_space<vmem_shared>>, %arg12: memref<!tpu.dma_semaphore, #tpu.memory_space<semaphore_mem>>, %arg13: memref<!tpu.dma_semaphore, #tpu.memory_space<semaphore_mem>>) attributes {dimension_semantics = [#tpu.dimension_semantics<core_parallel>, #tpu.dimension_semantics<subcore_parallel>], iteration_bounds = array<i64: 2, 16>, scalar_prefetch = 0 : i64, scratch_operands = 8 : i64, tpu.core_type = #tpu.core_type<sc_vector_subcore>, window_params = [{transform_indices = #map}, {transform_indices = #map1}, {transform_indices = #map}, {transform_indices = #map1}]} {
    %mul3A = arith.constant 16 : i32
    %mul3A_0 = arith.muli %arg0, %mul3A : i32
    %add3A = arith.addi %mul3A_0, %arg1 : i32
    %mul3A_1 = arith.constant 640 : i32
    %mul3A_2 = arith.muli %arg1, %mul3A_1 : i32
    %mul3A_3 = arith.constant 640 : i32
    %mul3A_4 = arith.muli %arg1, %mul3A_3 : i32
    "tpu.region"() ({
      %run_scoped3A_30 = tpu.sem_alloc : memref<!tpu.dma_semaphore, #tpu.memory_space<semaphore_mem>>
      %dma_start3A_31 = arith.constant 0 : i32
      %dma_start3A_32 = tpu.memref_slice %arg11[%mul3A_4, %dma_start3A_31] : memref<10240x64xf32, #tpu.memory_space<vmem_shared>> -> memref<640x64xf32, #tpu.memory_space<vmem_shared>>
      %dma_start3A_33 = arith.constant 0 : i32
      %dma_start3A_34 = tpu.memref_slice %arg4[%mul3A_2, %dma_start3A_33] : memref<10240x64xf32, #tpu.memory_space<hbm>> -> memref<640x64xf32, #tpu.memory_space<hbm>>
      tpu.enqueue_dma source(%dma_start3A_34 : memref<640x64xf32, #tpu.memory_space<hbm>>) target(%dma_start3A_32 : memref<640x64xf32, #tpu.memory_space<vmem_shared>>) target_semaphore(%run_scoped3A_30 : memref<!tpu.dma_semaphore, #tpu.memory_space<semaphore_mem>>)
      %dma_wait3A = arith.constant 0 : i32
      %dma_wait3A_35 = tpu.memref_slice %arg11[%mul3A_4, %dma_wait3A] : memref<10240x64xf32, #tpu.memory_space<vmem_shared>> -> memref<640x64xf32, #tpu.memory_space<vmem_shared>>
      %dma_wait3A_36 = arith.constant 0 : i32
      %dma_wait3A_37 = tpu.memref_slice %arg4[%mul3A_2, %dma_wait3A_36] : memref<10240x64xf32, #tpu.memory_space<hbm>> -> memref<640x64xf32, #tpu.memory_space<hbm>>
      tpu.wait_dma2 semaphore(%run_scoped3A_30 : memref<!tpu.dma_semaphore, #tpu.memory_space<semaphore_mem>>) src(%dma_wait3A_37 : memref<640x64xf32, #tpu.memory_space<hbm>>) dst(%dma_wait3A_35 : memref<640x64xf32, #tpu.memory_space<vmem_shared>>)
      tpu.yield
    }) : () -> ()
    %mul3A_5 = arith.constant 640 : i32
    %mul3A_6 = arith.muli %arg1, %mul3A_5 : i32
    %mul3A_7 = arith.constant 640 : i32
    %mul3A_8 = arith.muli %arg1, %mul3A_7 : i32
    "tpu.region"() ({
      %run_scoped3A_30 = tpu.sem_alloc : memref<!tpu.dma_semaphore, #tpu.memory_space<semaphore_mem>>
      %dma_start3A_31 = arith.constant 0 : i32
      %dma_start3A_32 = tpu.memref_slice %arg10[%mul3A_8, %dma_start3A_31] : memref<10240x64xf32, #tpu.memory_space<vmem_shared>> -> memref<640x64xf32, #tpu.memory_space<vmem_shared>>
      %dma_start3A_33 = arith.constant 0 : i32
      %dma_start3A_34 = tpu.memref_slice %arg2[%mul3A_6, %dma_start3A_33] : memref<10240x64xf32, #tpu.memory_space<hbm>> -> memref<640x64xf32, #tpu.memory_space<hbm>>
      tpu.enqueue_dma source(%dma_start3A_34 : memref<640x64xf32, #tpu.memory_space<hbm>>) target(%dma_start3A_32 : memref<640x64xf32, #tpu.memory_space<vmem_shared>>) target_semaphore(%run_scoped3A_30 : memref<!tpu.dma_semaphore, #tpu.memory_space<semaphore_mem>>)
      %dma_wait3A = arith.constant 0 : i32
      %dma_wait3A_35 = tpu.memref_slice %arg10[%mul3A_8, %dma_wait3A] : memref<10240x64xf32, #tpu.memory_space<vmem_shared>> -> memref<640x64xf32, #tpu.memory_space<vmem_shared>>
      %dma_wait3A_36 = arith.constant 0 : i32
      %dma_wait3A_37 = tpu.memref_slice %arg2[%mul3A_6, %dma_wait3A_36] : memref<10240x64xf32, #tpu.memory_space<hbm>> -> memref<640x64xf32, #tpu.memory_space<hbm>>
      tpu.wait_dma2 semaphore(%run_scoped3A_30 : memref<!tpu.dma_semaphore, #tpu.memory_space<semaphore_mem>>) src(%dma_wait3A_37 : memref<640x64xf32, #tpu.memory_space<hbm>>) dst(%dma_wait3A_35 : memref<640x64xf32, #tpu.memory_space<vmem_shared>>)
      tpu.yield
    }) : () -> ()
    %mul3A_9 = arith.constant 125 : i32
    %mul3A_10 = arith.muli %add3A, %mul3A_9 : i32
    %run_scoped3A = arith.constant 0 : i32
    "tpu.region"() ({
      %run_scoped3A_30 = tpu.sem_alloc : memref<!tpu.dma_semaphore, #tpu.memory_space<semaphore_mem>>
      %dma_start3A_31 = arith.constant 0 : i32
      %dma_start3A_32 = arith.constant 0 : i32
      %dma_start3A_33 = tpu.memref_slice %arg3[%run_scoped3A, %dma_start3A_31, %dma_start3A_32] : memref<2x4000x80xi32, #tpu.memory_space<hbm>> -> memref<1x4000x80xi32, #tpu.memory_space<hbm>>
      %dma_start3A_34 = tpu.memref_squeeze %dma_start3A_33 : memref<1x4000x80xi32, #tpu.memory_space<hbm>> -> memref<4000x80xi32, #tpu.memory_space<hbm>>
      %dma_start3A_35 = arith.constant 0 : i32
      %dma_start3A_36 = tpu.memref_slice %dma_start3A_34[%mul3A_10, %dma_start3A_35] : memref<4000x80xi32, #tpu.memory_space<hbm>> -> memref<125x80xi32, #tpu.memory_space<hbm>>
      %dma_start3A_37 = arith.constant 0 : i32
      %dma_start3A_38 = arith.constant 0 : i32
      %dma_start3A_39 = tpu.memref_slice %arg3[%run_scoped3A, %dma_start3A_37, %dma_start3A_38] : memref<2x4000x80xi32, #tpu.memory_space<hbm>> -> memref<1x4000x80xi32, #tpu.memory_space<hbm>>
      %dma_start3A_40 = tpu.memref_squeeze %dma_start3A_39 : memref<1x4000x80xi32, #tpu.memory_space<hbm>> -> memref<4000x80xi32, #tpu.memory_space<hbm>>
      %dma_start3A_41 = arith.constant 0 : i32
      %dma_start3A_42 = tpu.memref_slice %dma_start3A_40[%mul3A_10, %dma_start3A_41] : memref<4000x80xi32, #tpu.memory_space<hbm>> -> memref<125x80xi32, #tpu.memory_space<hbm>>
      tpu.enqueue_dma source(%dma_start3A_42 : memref<125x80xi32, #tpu.memory_space<hbm>>) target(%arg6 : memref<125x80xi32, #tpu.memory_space<vmem>>) target_semaphore(%run_scoped3A_30 : memref<!tpu.dma_semaphore, #tpu.memory_space<semaphore_mem>>)
      %dma_wait3A = arith.constant 0 : i32
      %dma_wait3A_43 = arith.constant 0 : i32
      %dma_wait3A_44 = tpu.memref_slice %arg3[%run_scoped3A, %dma_wait3A, %dma_wait3A_43] : memref<2x4000x80xi32, #tpu.memory_space<hbm>> -> memref<1x4000x80xi32, #tpu.memory_space<hbm>>
      %dma_wait3A_45 = tpu.memref_squeeze %dma_wait3A_44 : memref<1x4000x80xi32, #tpu.memory_space<hbm>> -> memref<4000x80xi32, #tpu.memory_space<hbm>>
      %dma_wait3A_46 = arith.constant 0 : i32
      %dma_wait3A_47 = tpu.memref_slice %dma_wait3A_45[%mul3A_10, %dma_wait3A_46] : memref<4000x80xi32, #tpu.memory_space<hbm>> -> memref<125x80xi32, #tpu.memory_space<hbm>>
      %dma_wait3A_48 = arith.constant 0 : i32
      %dma_wait3A_49 = arith.constant 0 : i32
      %dma_wait3A_50 = tpu.memref_slice %arg3[%run_scoped3A, %dma_wait3A_48, %dma_wait3A_49] : memref<2x4000x80xi32, #tpu.memory_space<hbm>> -> memref<1x4000x80xi32, #tpu.memory_space<hbm>>
      %dma_wait3A_51 = tpu.memref_squeeze %dma_wait3A_50 : memref<1x4000x80xi32, #tpu.memory_space<hbm>> -> memref<4000x80xi32, #tpu.memory_space<hbm>>
      %dma_wait3A_52 = arith.constant 0 : i32
      %dma_wait3A_53 = tpu.memref_slice %dma_wait3A_51[%mul3A_10, %dma_wait3A_52] : memref<4000x80xi32, #tpu.memory_space<hbm>> -> memref<125x80xi32, #tpu.memory_space<hbm>>
      tpu.wait_dma2 semaphore(%run_scoped3A_30 : memref<!tpu.dma_semaphore, #tpu.memory_space<semaphore_mem>>) src(%dma_wait3A_53 : memref<125x80xi32, #tpu.memory_space<hbm>>) dst(%arg6 : memref<125x80xi32, #tpu.memory_space<vmem>>)
      tpu.yield
    }) : () -> ()
    %mul3A_11 = arith.constant 125 : i32
    %mul3A_12 = arith.muli %add3A, %mul3A_11 : i32
    %run_scoped3A_13 = arith.constant 1 : i32
    "tpu.region"() ({
      %run_scoped3A_30 = tpu.sem_alloc : memref<!tpu.dma_semaphore, #tpu.memory_space<semaphore_mem>>
      %dma_start3A_31 = arith.constant 0 : i32
      %dma_start3A_32 = arith.constant 0 : i32
      %dma_start3A_33 = tpu.memref_slice %arg3[%run_scoped3A_13, %dma_start3A_31, %dma_start3A_32] : memref<2x4000x80xi32, #tpu.memory_space<hbm>> -> memref<1x4000x80xi32, #tpu.memory_space<hbm>>
      %dma_start3A_34 = tpu.memref_squeeze %dma_start3A_33 : memref<1x4000x80xi32, #tpu.memory_space<hbm>> -> memref<4000x80xi32, #tpu.memory_space<hbm>>
      %dma_start3A_35 = arith.constant 0 : i32
      %dma_start3A_36 = tpu.memref_slice %dma_start3A_34[%mul3A_12, %dma_start3A_35] : memref<4000x80xi32, #tpu.memory_space<hbm>> -> memref<125x80xi32, #tpu.memory_space<hbm>>
      %dma_start3A_37 = arith.constant 0 : i32
      %dma_start3A_38 = arith.constant 0 : i32
      %dma_start3A_39 = tpu.memref_slice %arg3[%run_scoped3A_13, %dma_start3A_37, %dma_start3A_38] : memref<2x4000x80xi32, #tpu.memory_space<hbm>> -> memref<1x4000x80xi32, #tpu.memory_space<hbm>>
      %dma_start3A_40 = tpu.memref_squeeze %dma_start3A_39 : memref<1x4000x80xi32, #tpu.memory_space<hbm>> -> memref<4000x80xi32, #tpu.memory_space<hbm>>
      %dma_start3A_41 = arith.constant 0 : i32
      %dma_start3A_42 = tpu.memref_slice %dma_start3A_40[%mul3A_12, %dma_start3A_41] : memref<4000x80xi32, #tpu.memory_space<hbm>> -> memref<125x80xi32, #tpu.memory_space<hbm>>
      tpu.enqueue_dma source(%dma_start3A_42 : memref<125x80xi32, #tpu.memory_space<hbm>>) target(%arg7 : memref<125x80xi32, #tpu.memory_space<vmem>>) target_semaphore(%run_scoped3A_30 : memref<!tpu.dma_semaphore, #tpu.memory_space<semaphore_mem>>)
      %dma_wait3A = arith.constant 0 : i32
      %dma_wait3A_43 = arith.constant 0 : i32
      %dma_wait3A_44 = tpu.memref_slice %arg3[%run_scoped3A_13, %dma_wait3A, %dma_wait3A_43] : memref<2x4000x80xi32, #tpu.memory_space<hbm>> -> memref<1x4000x80xi32, #tpu.memory_space<hbm>>
      %dma_wait3A_45 = tpu.memref_squeeze %dma_wait3A_44 : memref<1x4000x80xi32, #tpu.memory_space<hbm>> -> memref<4000x80xi32, #tpu.memory_space<hbm>>
      %dma_wait3A_46 = arith.constant 0 : i32
      %dma_wait3A_47 = tpu.memref_slice %dma_wait3A_45[%mul3A_12, %dma_wait3A_46] : memref<4000x80xi32, #tpu.memory_space<hbm>> -> memref<125x80xi32, #tpu.memory_space<hbm>>
      %dma_wait3A_48 = arith.constant 0 : i32
      %dma_wait3A_49 = arith.constant 0 : i32
      %dma_wait3A_50 = tpu.memref_slice %arg3[%run_scoped3A_13, %dma_wait3A_48, %dma_wait3A_49] : memref<2x4000x80xi32, #tpu.memory_space<hbm>> -> memref<1x4000x80xi32, #tpu.memory_space<hbm>>
      %dma_wait3A_51 = tpu.memref_squeeze %dma_wait3A_50 : memref<1x4000x80xi32, #tpu.memory_space<hbm>> -> memref<4000x80xi32, #tpu.memory_space<hbm>>
      %dma_wait3A_52 = arith.constant 0 : i32
      %dma_wait3A_53 = tpu.memref_slice %dma_wait3A_51[%mul3A_12, %dma_wait3A_52] : memref<4000x80xi32, #tpu.memory_space<hbm>> -> memref<125x80xi32, #tpu.memory_space<hbm>>
      tpu.wait_dma2 semaphore(%run_scoped3A_30 : memref<!tpu.dma_semaphore, #tpu.memory_space<semaphore_mem>>) src(%dma_wait3A_53 : memref<125x80xi32, #tpu.memory_space<hbm>>) dst(%arg7 : memref<125x80xi32, #tpu.memory_space<vmem>>)
      tpu.yield
    }) : () -> ()
    %barrier3A = arith.constant 0 : index
    tpu.barrier barrier_id(%barrier3A)
    %dma_start3A = arith.constant 0 : i32
    %dma_start3A_14 = arith.constant 0 : i32
    %dma_start3A_15 = tpu.memref_slice %arg6[%dma_start3A, %dma_start3A_14] : memref<125x80xi32, #tpu.memory_space<vmem>> -> memref<1x80xi32, #tpu.memory_space<vmem>>
    %dma_start3A_16 = tpu.memref_squeeze %dma_start3A_15 : memref<1x80xi32, #tpu.memory_space<vmem>> -> memref<80xi32, #tpu.memory_space<vmem>>
    %dma_start3A_17 = arith.constant 0 : i32
    %dma_start3A_18 = arith.constant 0 : i32
    %dma_start3A_19 = tpu.memref_slice %arg10[%dma_start3A_17, %dma_start3A_18] : memref<10240x64xf32, #tpu.memory_space<vmem_shared>> -> memref<10240x64xf32, #tpu.memory_space<vmem_shared>>
    tpu.enqueue_indirect_dma source(%dma_start3A_19 : memref<10240x64xf32, #tpu.memory_space<vmem_shared>>) target(%arg8 : memref<80x64xf32, #tpu.memory_space<vmem>>) offsets(%dma_start3A_16 : memref<80xi32, #tpu.memory_space<vmem>>) semaphore(%arg12 : memref<!tpu.dma_semaphore, #tpu.memory_space<semaphore_mem>>)
    %scan3A = arith.constant 0 : i32
    %scan3A_20 = arith.constant 0 : i32
    %scan3A_21 = arith.constant 125 : i32
    %scan3A_22 = arith.addi %scan3A_20, %scan3A_21 : i32
    %scan3A_23 = arith.constant 1 : i32
    scf.for %scan3A_30 = %scan3A_20 to %scan3A_22 step %scan3A_23  : i32 {
      %rem3A = arith.constant 2 : i32
      %rem3A_31 = arith.remsi %scan3A_30, %rem3A : i32
      %eq3A = arith.constant 0 : i32
      %eq3A_32 = arith.cmpi eq, %rem3A_31, %eq3A : i32
      %convert_element_type3A = arith.extui %eq3A_32 : i1 to i32
      %cond3A = arith.constant 0 : i32
      %cond3A_33 = arith.cmpi ne, %convert_element_type3A, %cond3A : i32
      scf.if %cond3A_33 {
        %dma_wait3A = arith.constant 0 : i32
        %dma_wait3A_38 = arith.constant 0 : i32
        %dma_wait3A_39 = tpu.memref_slice %arg6[%dma_wait3A, %dma_wait3A_38] : memref<125x80xi32, #tpu.memory_space<vmem>> -> memref<1x80xi32, #tpu.memory_space<vmem>>
        %dma_wait3A_40 = tpu.memref_squeeze %dma_wait3A_39 : memref<1x80xi32, #tpu.memory_space<vmem>> -> memref<80xi32, #tpu.memory_space<vmem>>
        %dma_wait3A_41 = arith.constant 0 : i32
        %dma_wait3A_42 = arith.constant 0 : i32
        %dma_wait3A_43 = tpu.memref_slice %arg10[%dma_wait3A_41, %dma_wait3A_42] : memref<10240x64xf32, #tpu.memory_space<vmem_shared>> -> memref<10240x64xf32, #tpu.memory_space<vmem_shared>>
        tpu.wait_indirect_dma semaphore(%arg12 : memref<!tpu.dma_semaphore, #tpu.memory_space<semaphore_mem>>) src(%dma_wait3A_43 : memref<10240x64xf32, #tpu.memory_space<vmem_shared>>) dst(%arg8 : memref<80x64xf32, #tpu.memory_space<vmem>>)
        %add3A_44 = arith.constant 1 : i32
        %add3A_45 = arith.addi %scan3A_30, %add3A_44 : i32
        %lt3A = arith.constant 125 : i32
        %lt3A_46 = arith.cmpi slt, %add3A_45, %lt3A : i32
        %convert_element_type3A_47 = arith.extui %lt3A_46 : i1 to i32
        %cond3A_48 = arith.constant 0 : i32
        %cond3A_49 = arith.cmpi ne, %convert_element_type3A_47, %cond3A_48 : i32
        scf.if %cond3A_49 {
          %add3A_50 = arith.constant 1 : i32
          %add3A_51 = arith.addi %scan3A_30, %add3A_50 : i32
          %dma_start3A_52 = arith.constant 0 : i32
          %dma_start3A_53 = tpu.memref_slice %arg6[%add3A_51, %dma_start3A_52] : memref<125x80xi32, #tpu.memory_space<vmem>> -> memref<1x80xi32, #tpu.memory_space<vmem>>
          %dma_start3A_54 = tpu.memref_squeeze %dma_start3A_53 : memref<1x80xi32, #tpu.memory_space<vmem>> -> memref<80xi32, #tpu.memory_space<vmem>>
          %dma_start3A_55 = arith.constant 0 : i32
          %dma_start3A_56 = arith.constant 0 : i32
          %dma_start3A_57 = tpu.memref_slice %arg10[%dma_start3A_55, %dma_start3A_56] : memref<10240x64xf32, #tpu.memory_space<vmem_shared>> -> memref<10240x64xf32, #tpu.memory_space<vmem_shared>>
          tpu.enqueue_indirect_dma source(%dma_start3A_57 : memref<10240x64xf32, #tpu.memory_space<vmem_shared>>) target(%arg9 : memref<80x64xf32, #tpu.memory_space<vmem>>) offsets(%dma_start3A_54 : memref<80xi32, #tpu.memory_space<vmem>>) semaphore(%arg13 : memref<!tpu.dma_semaphore, #tpu.memory_space<semaphore_mem>>)
        } else {
        }
        "tpu.region"() ({
          %run_scoped3A_50 = tpu.sem_alloc : memref<!tpu.dma_semaphore, #tpu.memory_space<semaphore_mem>>
          %dma_start3A_51 = arith.constant 0 : i32
          %dma_start3A_52 = tpu.memref_slice %arg7[%scan3A_30, %dma_start3A_51] : memref<125x80xi32, #tpu.memory_space<vmem>> -> memref<1x80xi32, #tpu.memory_space<vmem>>
          %dma_start3A_53 = tpu.memref_squeeze %dma_start3A_52 : memref<1x80xi32, #tpu.memory_space<vmem>> -> memref<80xi32, #tpu.memory_space<vmem>>
          %dma_start3A_54 = arith.constant 0 : i32
          %dma_start3A_55 = arith.constant 0 : i32
          %dma_start3A_56 = tpu.memref_slice %arg11[%dma_start3A_54, %dma_start3A_55] : memref<10240x64xf32, #tpu.memory_space<vmem_shared>> -> memref<10240x64xf32, #tpu.memory_space<vmem_shared>>
          tpu.enqueue_indirect_dma source(%arg8 : memref<80x64xf32, #tpu.memory_space<vmem>>) target(%dma_start3A_56 : memref<10240x64xf32, #tpu.memory_space<vmem_shared>>) offsets(%dma_start3A_53 : memref<80xi32, #tpu.memory_space<vmem>>) semaphore(%run_scoped3A_50 : memref<!tpu.dma_semaphore, #tpu.memory_space<semaphore_mem>>) {add = true}
          %dma_wait3A_57 = arith.constant 0 : i32
          %dma_wait3A_58 = tpu.memref_slice %arg7[%scan3A_30, %dma_wait3A_57] : memref<125x80xi32, #tpu.memory_space<vmem>> -> memref<1x80xi32, #tpu.memory_space<vmem>>
          %dma_wait3A_59 = tpu.memref_squeeze %dma_wait3A_58 : memref<1x80xi32, #tpu.memory_space<vmem>> -> memref<80xi32, #tpu.memory_space<vmem>>
          %dma_wait3A_60 = arith.constant 0 : i32
          %dma_wait3A_61 = arith.constant 0 : i32
          %dma_wait3A_62 = tpu.memref_slice %arg11[%dma_wait3A_60, %dma_wait3A_61] : memref<10240x64xf32, #tpu.memory_space<vmem_shared>> -> memref<10240x64xf32, #tpu.memory_space<vmem_shared>>
          tpu.wait_indirect_dma semaphore(%run_scoped3A_50 : memref<!tpu.dma_semaphore, #tpu.memory_space<semaphore_mem>>) src(%arg8 : memref<80x64xf32, #tpu.memory_space<vmem>>) dst(%dma_wait3A_62 : memref<10240x64xf32, #tpu.memory_space<vmem_shared>>)
          tpu.yield
        }) : () -> ()
      } else {
      }
      %not3A = arith.constant true
      %not3A_34 = arith.xori %eq3A_32, %not3A : i1
      %convert_element_type3A_35 = arith.extui %not3A_34 : i1 to i32
      %cond3A_36 = arith.constant 0 : i32
      %cond3A_37 = arith.cmpi ne, %convert_element_type3A_35, %cond3A_36 : i32
      scf.if %cond3A_37 {
        %dma_wait3A = arith.constant 0 : i32
        %dma_wait3A_38 = arith.constant 0 : i32
        %dma_wait3A_39 = tpu.memref_slice %arg6[%dma_wait3A, %dma_wait3A_38] : memref<125x80xi32, #tpu.memory_space<vmem>> -> memref<1x80xi32, #tpu.memory_space<vmem>>
        %dma_wait3A_40 = tpu.memref_squeeze %dma_wait3A_39 : memref<1x80xi32, #tpu.memory_space<vmem>> -> memref<80xi32, #tpu.memory_space<vmem>>
        %dma_wait3A_41 = arith.constant 0 : i32
        %dma_wait3A_42 = arith.constant 0 : i32
        %dma_wait3A_43 = tpu.memref_slice %arg10[%dma_wait3A_41, %dma_wait3A_42] : memref<10240x64xf32, #tpu.memory_space<vmem_shared>> -> memref<10240x64xf32, #tpu.memory_space<vmem_shared>>
        tpu.wait_indirect_dma semaphore(%arg13 : memref<!tpu.dma_semaphore, #tpu.memory_space<semaphore_mem>>) src(%dma_wait3A_43 : memref<10240x64xf32, #tpu.memory_space<vmem_shared>>) dst(%arg9 : memref<80x64xf32, #tpu.memory_space<vmem>>)
        %add3A_44 = arith.constant 1 : i32
        %add3A_45 = arith.addi %scan3A_30, %add3A_44 : i32
        %lt3A = arith.constant 125 : i32
        %lt3A_46 = arith.cmpi slt, %add3A_45, %lt3A : i32
        %convert_element_type3A_47 = arith.extui %lt3A_46 : i1 to i32
        %cond3A_48 = arith.constant 0 : i32
        %cond3A_49 = arith.cmpi ne, %convert_element_type3A_47, %cond3A_48 : i32
        scf.if %cond3A_49 {
          %add3A_50 = arith.constant 1 : i32
          %add3A_51 = arith.addi %scan3A_30, %add3A_50 : i32
          %dma_start3A_52 = arith.constant 0 : i32
          %dma_start3A_53 = tpu.memref_slice %arg6[%add3A_51, %dma_start3A_52] : memref<125x80xi32, #tpu.memory_space<vmem>> -> memref<1x80xi32, #tpu.memory_space<vmem>>
          %dma_start3A_54 = tpu.memref_squeeze %dma_start3A_53 : memref<1x80xi32, #tpu.memory_space<vmem>> -> memref<80xi32, #tpu.memory_space<vmem>>
          %dma_start3A_55 = arith.constant 0 : i32
          %dma_start3A_56 = arith.constant 0 : i32
          %dma_start3A_57 = tpu.memref_slice %arg10[%dma_start3A_55, %dma_start3A_56] : memref<10240x64xf32, #tpu.memory_space<vmem_shared>> -> memref<10240x64xf32, #tpu.memory_space<vmem_shared>>
          tpu.enqueue_indirect_dma source(%dma_start3A_57 : memref<10240x64xf32, #tpu.memory_space<vmem_shared>>) target(%arg8 : memref<80x64xf32, #tpu.memory_space<vmem>>) offsets(%dma_start3A_54 : memref<80xi32, #tpu.memory_space<vmem>>) semaphore(%arg12 : memref<!tpu.dma_semaphore, #tpu.memory_space<semaphore_mem>>)
        } else {
        }
        "tpu.region"() ({
          %run_scoped3A_50 = tpu.sem_alloc : memref<!tpu.dma_semaphore, #tpu.memory_space<semaphore_mem>>
          %dma_start3A_51 = arith.constant 0 : i32
          %dma_start3A_52 = tpu.memref_slice %arg7[%scan3A_30, %dma_start3A_51] : memref<125x80xi32, #tpu.memory_space<vmem>> -> memref<1x80xi32, #tpu.memory_space<vmem>>
          %dma_start3A_53 = tpu.memref_squeeze %dma_start3A_52 : memref<1x80xi32, #tpu.memory_space<vmem>> -> memref<80xi32, #tpu.memory_space<vmem>>
          %dma_start3A_54 = arith.constant 0 : i32
          %dma_start3A_55 = arith.constant 0 : i32
          %dma_start3A_56 = tpu.memref_slice %arg11[%dma_start3A_54, %dma_start3A_55] : memref<10240x64xf32, #tpu.memory_space<vmem_shared>> -> memref<10240x64xf32, #tpu.memory_space<vmem_shared>>
          tpu.enqueue_indirect_dma source(%arg9 : memref<80x64xf32, #tpu.memory_space<vmem>>) target(%dma_start3A_56 : memref<10240x64xf32, #tpu.memory_space<vmem_shared>>) offsets(%dma_start3A_53 : memref<80xi32, #tpu.memory_space<vmem>>) semaphore(%run_scoped3A_50 : memref<!tpu.dma_semaphore, #tpu.memory_space<semaphore_mem>>) {add = true}
          %dma_wait3A_57 = arith.constant 0 : i32
          %dma_wait3A_58 = tpu.memref_slice %arg7[%scan3A_30, %dma_wait3A_57] : memref<125x80xi32, #tpu.memory_space<vmem>> -> memref<1x80xi32, #tpu.memory_space<vmem>>
          %dma_wait3A_59 = tpu.memref_squeeze %dma_wait3A_58 : memref<1x80xi32, #tpu.memory_space<vmem>> -> memref<80xi32, #tpu.memory_space<vmem>>
          %dma_wait3A_60 = arith.constant 0 : i32
          %dma_wait3A_61 = arith.constant 0 : i32
          %dma_wait3A_62 = tpu.memref_slice %arg11[%dma_wait3A_60, %dma_wait3A_61] : memref<10240x64xf32, #tpu.memory_space<vmem_shared>> -> memref<10240x64xf32, #tpu.memory_space<vmem_shared>>
          tpu.wait_indirect_dma semaphore(%run_scoped3A_50 : memref<!tpu.dma_semaphore, #tpu.memory_space<semaphore_mem>>) src(%arg9 : memref<80x64xf32, #tpu.memory_space<vmem>>) dst(%dma_wait3A_62 : memref<10240x64xf32, #tpu.memory_space<vmem_shared>>)
          tpu.yield
        }) : () -> ()
      } else {
      }
    }
    %scan3A_24 = arith.constant 125 : i32
    %barrier3A_25 = arith.constant 0 : index
    tpu.barrier barrier_id(%barrier3A_25)
    %mul3A_26 = arith.constant 640 : i32
    %mul3A_27 = arith.muli %arg1, %mul3A_26 : i32
    %mul3A_28 = arith.constant 640 : i32
    %mul3A_29 = arith.muli %arg1, %mul3A_28 : i32
    "tpu.region"() ({
      %run_scoped3A_30 = tpu.sem_alloc : memref<!tpu.dma_semaphore, #tpu.memory_space<semaphore_mem>>
      %dma_start3A_31 = arith.constant 0 : i32
      %dma_start3A_32 = arith.constant 0 : i32
      %dma_start3A_33 = tpu.memref_slice %arg5[%arg0, %dma_start3A_31, %dma_start3A_32] : memref<2x10240x64xf32, #tpu.memory_space<hbm>> -> memref<1x10240x64xf32, #tpu.memory_space<hbm>>
      %dma_start3A_34 = tpu.memref_squeeze %dma_start3A_33 : memref<1x10240x64xf32, #tpu.memory_space<hbm>> -> memref<10240x64xf32, #tpu.memory_space<hbm>>
      %dma_start3A_35 = arith.constant 0 : i32
      %dma_start3A_36 = tpu.memref_slice %dma_start3A_34[%mul3A_29, %dma_start3A_35] : memref<10240x64xf32, #tpu.memory_space<hbm>> -> memref<640x64xf32, #tpu.memory_space<hbm>>
      %dma_start3A_37 = arith.constant 0 : i32
      %dma_start3A_38 = tpu.memref_slice %arg11[%mul3A_27, %dma_start3A_37] : memref<10240x64xf32, #tpu.memory_space<vmem_shared>> -> memref<640x64xf32, #tpu.memory_space<vmem_shared>>
      tpu.enqueue_dma source(%dma_start3A_38 : memref<640x64xf32, #tpu.memory_space<vmem_shared>>) target(%dma_start3A_36 : memref<640x64xf32, #tpu.memory_space<hbm>>) target_semaphore(%run_scoped3A_30 : memref<!tpu.dma_semaphore, #tpu.memory_space<semaphore_mem>>)
      %dma_wait3A = arith.constant 0 : i32
      %dma_wait3A_39 = arith.constant 0 : i32
      %dma_wait3A_40 = tpu.memref_slice %arg5[%arg0, %dma_wait3A, %dma_wait3A_39] : memref<2x10240x64xf32, #tpu.memory_space<hbm>> -> memref<1x10240x64xf32, #tpu.memory_space<hbm>>
      %dma_wait3A_41 = tpu.memref_squeeze %dma_wait3A_40 : memref<1x10240x64xf32, #tpu.memory_space<hbm>> -> memref<10240x64xf32, #tpu.memory_space<hbm>>
      %dma_wait3A_42 = arith.constant 0 : i32
      %dma_wait3A_43 = tpu.memref_slice %dma_wait3A_41[%mul3A_29, %dma_wait3A_42] : memref<10240x64xf32, #tpu.memory_space<hbm>> -> memref<640x64xf32, #tpu.memory_space<hbm>>
      %dma_wait3A_44 = arith.constant 0 : i32
      %dma_wait3A_45 = tpu.memref_slice %arg11[%mul3A_27, %dma_wait3A_44] : memref<10240x64xf32, #tpu.memory_space<vmem_shared>> -> memref<640x64xf32, #tpu.memory_space<vmem_shared>>
      tpu.wait_dma2 semaphore(%run_scoped3A_30 : memref<!tpu.dma_semaphore, #tpu.memory_space<semaphore_mem>>) src(%dma_wait3A_45 : memref<640x64xf32, #tpu.memory_space<vmem_shared>>) dst(%dma_wait3A_43 : memref<640x64xf32, #tpu.memory_space<hbm>>)
      tpu.yield
    }) : () -> ()
    return
  }
}

#map = affine_map<(d0, d1) -> (0, 0, 0)>
#map1 = affine_map<(d0, d1) -> (0, 0)>
module attributes {stable_mosaic.version = 14 : i64} {
  func.func @_deg_body(%arg0: i32, %arg1: i32, %arg2: memref<2x4000x80xi32, #tpu.memory_space<hbm>>, %arg3: memref<80x16xf32, #tpu.memory_space<hbm>>, %arg4: memref<10240x16xf32, #tpu.memory_space<hbm>>, %arg5: memref<2x10240x16xf32, #tpu.memory_space<hbm>>, %arg6: memref<125x80xi32, #tpu.memory_space<vmem>>, %arg7: memref<80x16xf32, #tpu.memory_space<vmem>>, %arg8: memref<10240x16xf32, #tpu.memory_space<vmem_shared>>, %arg9: memref<!tpu.dma_semaphore, #tpu.memory_space<semaphore_mem>>) attributes {dimension_semantics = [#tpu.dimension_semantics<core_parallel>, #tpu.dimension_semantics<subcore_parallel>], iteration_bounds = array<i64: 2, 16>, scalar_prefetch = 0 : i64, scratch_operands = 4 : i64, tpu.core_type = #tpu.core_type<sc_vector_subcore>, window_params = [{transform_indices = #map}, {transform_indices = #map1}, {transform_indices = #map1}, {transform_indices = #map}]} {
    %mul3A = arith.constant 16 : i32
    %mul3A_0 = arith.muli %arg0, %mul3A : i32
    %add3A = arith.addi %mul3A_0, %arg1 : i32
    %mul3A_1 = arith.constant 640 : i32
    %mul3A_2 = arith.muli %arg1, %mul3A_1 : i32
    %mul3A_3 = arith.constant 640 : i32
    %mul3A_4 = arith.muli %arg1, %mul3A_3 : i32
    "tpu.region"() ({
      %run_scoped3A_23 = tpu.sem_alloc : memref<!tpu.dma_semaphore, #tpu.memory_space<semaphore_mem>>
      %dma_start3A = arith.constant 0 : i32
      %dma_start3A_24 = tpu.memref_slice %arg8[%mul3A_4, %dma_start3A] : memref<10240x16xf32, #tpu.memory_space<vmem_shared>> -> memref<640x16xf32, #tpu.memory_space<vmem_shared>>
      %dma_start3A_25 = arith.constant 0 : i32
      %dma_start3A_26 = tpu.memref_slice %arg4[%mul3A_2, %dma_start3A_25] : memref<10240x16xf32, #tpu.memory_space<hbm>> -> memref<640x16xf32, #tpu.memory_space<hbm>>
      tpu.enqueue_dma source(%dma_start3A_26 : memref<640x16xf32, #tpu.memory_space<hbm>>) target(%dma_start3A_24 : memref<640x16xf32, #tpu.memory_space<vmem_shared>>) target_semaphore(%run_scoped3A_23 : memref<!tpu.dma_semaphore, #tpu.memory_space<semaphore_mem>>)
      %dma_wait3A = arith.constant 0 : i32
      %dma_wait3A_27 = tpu.memref_slice %arg8[%mul3A_4, %dma_wait3A] : memref<10240x16xf32, #tpu.memory_space<vmem_shared>> -> memref<640x16xf32, #tpu.memory_space<vmem_shared>>
      %dma_wait3A_28 = arith.constant 0 : i32
      %dma_wait3A_29 = tpu.memref_slice %arg4[%mul3A_2, %dma_wait3A_28] : memref<10240x16xf32, #tpu.memory_space<hbm>> -> memref<640x16xf32, #tpu.memory_space<hbm>>
      tpu.wait_dma2 semaphore(%run_scoped3A_23 : memref<!tpu.dma_semaphore, #tpu.memory_space<semaphore_mem>>) src(%dma_wait3A_29 : memref<640x16xf32, #tpu.memory_space<hbm>>) dst(%dma_wait3A_27 : memref<640x16xf32, #tpu.memory_space<vmem_shared>>)
      tpu.yield
    }) : () -> ()
    %mul3A_5 = arith.constant 125 : i32
    %mul3A_6 = arith.muli %add3A, %mul3A_5 : i32
    %run_scoped3A = arith.constant 1 : i32
    "tpu.region"() ({
      %run_scoped3A_23 = tpu.sem_alloc : memref<!tpu.dma_semaphore, #tpu.memory_space<semaphore_mem>>
      %dma_start3A = arith.constant 0 : i32
      %dma_start3A_24 = arith.constant 0 : i32
      %dma_start3A_25 = tpu.memref_slice %arg2[%run_scoped3A, %dma_start3A, %dma_start3A_24] : memref<2x4000x80xi32, #tpu.memory_space<hbm>> -> memref<1x4000x80xi32, #tpu.memory_space<hbm>>
      %dma_start3A_26 = tpu.memref_squeeze %dma_start3A_25 : memref<1x4000x80xi32, #tpu.memory_space<hbm>> -> memref<4000x80xi32, #tpu.memory_space<hbm>>
      %dma_start3A_27 = arith.constant 0 : i32
      %dma_start3A_28 = tpu.memref_slice %dma_start3A_26[%mul3A_6, %dma_start3A_27] : memref<4000x80xi32, #tpu.memory_space<hbm>> -> memref<125x80xi32, #tpu.memory_space<hbm>>
      %dma_start3A_29 = arith.constant 0 : i32
      %dma_start3A_30 = arith.constant 0 : i32
      %dma_start3A_31 = tpu.memref_slice %arg2[%run_scoped3A, %dma_start3A_29, %dma_start3A_30] : memref<2x4000x80xi32, #tpu.memory_space<hbm>> -> memref<1x4000x80xi32, #tpu.memory_space<hbm>>
      %dma_start3A_32 = tpu.memref_squeeze %dma_start3A_31 : memref<1x4000x80xi32, #tpu.memory_space<hbm>> -> memref<4000x80xi32, #tpu.memory_space<hbm>>
      %dma_start3A_33 = arith.constant 0 : i32
      %dma_start3A_34 = tpu.memref_slice %dma_start3A_32[%mul3A_6, %dma_start3A_33] : memref<4000x80xi32, #tpu.memory_space<hbm>> -> memref<125x80xi32, #tpu.memory_space<hbm>>
      tpu.enqueue_dma source(%dma_start3A_34 : memref<125x80xi32, #tpu.memory_space<hbm>>) target(%arg6 : memref<125x80xi32, #tpu.memory_space<vmem>>) target_semaphore(%run_scoped3A_23 : memref<!tpu.dma_semaphore, #tpu.memory_space<semaphore_mem>>)
      %dma_wait3A = arith.constant 0 : i32
      %dma_wait3A_35 = arith.constant 0 : i32
      %dma_wait3A_36 = tpu.memref_slice %arg2[%run_scoped3A, %dma_wait3A, %dma_wait3A_35] : memref<2x4000x80xi32, #tpu.memory_space<hbm>> -> memref<1x4000x80xi32, #tpu.memory_space<hbm>>
      %dma_wait3A_37 = tpu.memref_squeeze %dma_wait3A_36 : memref<1x4000x80xi32, #tpu.memory_space<hbm>> -> memref<4000x80xi32, #tpu.memory_space<hbm>>
      %dma_wait3A_38 = arith.constant 0 : i32
      %dma_wait3A_39 = tpu.memref_slice %dma_wait3A_37[%mul3A_6, %dma_wait3A_38] : memref<4000x80xi32, #tpu.memory_space<hbm>> -> memref<125x80xi32, #tpu.memory_space<hbm>>
      %dma_wait3A_40 = arith.constant 0 : i32
      %dma_wait3A_41 = arith.constant 0 : i32
      %dma_wait3A_42 = tpu.memref_slice %arg2[%run_scoped3A, %dma_wait3A_40, %dma_wait3A_41] : memref<2x4000x80xi32, #tpu.memory_space<hbm>> -> memref<1x4000x80xi32, #tpu.memory_space<hbm>>
      %dma_wait3A_43 = tpu.memref_squeeze %dma_wait3A_42 : memref<1x4000x80xi32, #tpu.memory_space<hbm>> -> memref<4000x80xi32, #tpu.memory_space<hbm>>
      %dma_wait3A_44 = arith.constant 0 : i32
      %dma_wait3A_45 = tpu.memref_slice %dma_wait3A_43[%mul3A_6, %dma_wait3A_44] : memref<4000x80xi32, #tpu.memory_space<hbm>> -> memref<125x80xi32, #tpu.memory_space<hbm>>
      tpu.wait_dma2 semaphore(%run_scoped3A_23 : memref<!tpu.dma_semaphore, #tpu.memory_space<semaphore_mem>>) src(%dma_wait3A_45 : memref<125x80xi32, #tpu.memory_space<hbm>>) dst(%arg6 : memref<125x80xi32, #tpu.memory_space<vmem>>)
      tpu.yield
    }) : () -> ()
    "tpu.region"() ({
      %run_scoped3A_23 = tpu.sem_alloc : memref<!tpu.dma_semaphore, #tpu.memory_space<semaphore_mem>>
      tpu.enqueue_dma source(%arg3 : memref<80x16xf32, #tpu.memory_space<hbm>>) target(%arg7 : memref<80x16xf32, #tpu.memory_space<vmem>>) target_semaphore(%run_scoped3A_23 : memref<!tpu.dma_semaphore, #tpu.memory_space<semaphore_mem>>)
      tpu.wait_dma2 semaphore(%run_scoped3A_23 : memref<!tpu.dma_semaphore, #tpu.memory_space<semaphore_mem>>) src(%arg3 : memref<80x16xf32, #tpu.memory_space<hbm>>) dst(%arg7 : memref<80x16xf32, #tpu.memory_space<vmem>>)
      tpu.yield
    }) : () -> ()
    %barrier3A = arith.constant 0 : index
    tpu.barrier barrier_id(%barrier3A)
    %scan3A = arith.constant 0 : i32
    %scan3A_7 = arith.constant 0 : i32
    %scan3A_8 = arith.constant 125 : i32
    %scan3A_9 = arith.addi %scan3A_7, %scan3A_8 : i32
    %scan3A_10 = arith.constant 1 : i32
    scf.for %scan3A_23 = %scan3A_7 to %scan3A_9 step %scan3A_10  : i32 {
      %dma_start3A = arith.constant 0 : i32
      %dma_start3A_24 = tpu.memref_slice %arg6[%scan3A_23, %dma_start3A] : memref<125x80xi32, #tpu.memory_space<vmem>> -> memref<1x80xi32, #tpu.memory_space<vmem>>
      %dma_start3A_25 = tpu.memref_squeeze %dma_start3A_24 : memref<1x80xi32, #tpu.memory_space<vmem>> -> memref<80xi32, #tpu.memory_space<vmem>>
      %dma_start3A_26 = arith.constant 0 : i32
      %dma_start3A_27 = arith.constant 0 : i32
      %dma_start3A_28 = tpu.memref_slice %arg8[%dma_start3A_26, %dma_start3A_27] : memref<10240x16xf32, #tpu.memory_space<vmem_shared>> -> memref<10240x16xf32, #tpu.memory_space<vmem_shared>>
      tpu.enqueue_indirect_dma source(%arg7 : memref<80x16xf32, #tpu.memory_space<vmem>>) target(%dma_start3A_28 : memref<10240x16xf32, #tpu.memory_space<vmem_shared>>) offsets(%dma_start3A_25 : memref<80xi32, #tpu.memory_space<vmem>>) semaphore(%arg9 : memref<!tpu.dma_semaphore, #tpu.memory_space<semaphore_mem>>) {add = true}
    }
    %scan3A_11 = arith.constant 125 : i32
    %scan3A_12 = arith.constant 0 : i32
    %scan3A_13 = arith.constant 0 : i32
    %scan3A_14 = arith.constant 125 : i32
    %scan3A_15 = arith.addi %scan3A_13, %scan3A_14 : i32
    %scan3A_16 = arith.constant 1 : i32
    scf.for %scan3A_23 = %scan3A_13 to %scan3A_15 step %scan3A_16  : i32 {
      %dma_wait3A = arith.constant 0 : i32
      %dma_wait3A_24 = tpu.memref_slice %arg6[%scan3A_23, %dma_wait3A] : memref<125x80xi32, #tpu.memory_space<vmem>> -> memref<1x80xi32, #tpu.memory_space<vmem>>
      %dma_wait3A_25 = tpu.memref_squeeze %dma_wait3A_24 : memref<1x80xi32, #tpu.memory_space<vmem>> -> memref<80xi32, #tpu.memory_space<vmem>>
      %dma_wait3A_26 = arith.constant 0 : i32
      %dma_wait3A_27 = arith.constant 0 : i32
      %dma_wait3A_28 = tpu.memref_slice %arg8[%dma_wait3A_26, %dma_wait3A_27] : memref<10240x16xf32, #tpu.memory_space<vmem_shared>> -> memref<10240x16xf32, #tpu.memory_space<vmem_shared>>
      tpu.wait_indirect_dma semaphore(%arg9 : memref<!tpu.dma_semaphore, #tpu.memory_space<semaphore_mem>>) src(%arg7 : memref<80x16xf32, #tpu.memory_space<vmem>>) dst(%dma_wait3A_28 : memref<10240x16xf32, #tpu.memory_space<vmem_shared>>)
    }
    %scan3A_17 = arith.constant 125 : i32
    %barrier3A_18 = arith.constant 0 : index
    tpu.barrier barrier_id(%barrier3A_18)
    %mul3A_19 = arith.constant 640 : i32
    %mul3A_20 = arith.muli %arg1, %mul3A_19 : i32
    %mul3A_21 = arith.constant 640 : i32
    %mul3A_22 = arith.muli %arg1, %mul3A_21 : i32
    "tpu.region"() ({
      %run_scoped3A_23 = tpu.sem_alloc : memref<!tpu.dma_semaphore, #tpu.memory_space<semaphore_mem>>
      %dma_start3A = arith.constant 0 : i32
      %dma_start3A_24 = arith.constant 0 : i32
      %dma_start3A_25 = tpu.memref_slice %arg5[%arg0, %dma_start3A, %dma_start3A_24] : memref<2x10240x16xf32, #tpu.memory_space<hbm>> -> memref<1x10240x16xf32, #tpu.memory_space<hbm>>
      %dma_start3A_26 = tpu.memref_squeeze %dma_start3A_25 : memref<1x10240x16xf32, #tpu.memory_space<hbm>> -> memref<10240x16xf32, #tpu.memory_space<hbm>>
      %dma_start3A_27 = arith.constant 0 : i32
      %dma_start3A_28 = tpu.memref_slice %dma_start3A_26[%mul3A_22, %dma_start3A_27] : memref<10240x16xf32, #tpu.memory_space<hbm>> -> memref<640x16xf32, #tpu.memory_space<hbm>>
      %dma_start3A_29 = arith.constant 0 : i32
      %dma_start3A_30 = tpu.memref_slice %arg8[%mul3A_20, %dma_start3A_29] : memref<10240x16xf32, #tpu.memory_space<vmem_shared>> -> memref<640x16xf32, #tpu.memory_space<vmem_shared>>
      tpu.enqueue_dma source(%dma_start3A_30 : memref<640x16xf32, #tpu.memory_space<vmem_shared>>) target(%dma_start3A_28 : memref<640x16xf32, #tpu.memory_space<hbm>>) target_semaphore(%run_scoped3A_23 : memref<!tpu.dma_semaphore, #tpu.memory_space<semaphore_mem>>)
      %dma_wait3A = arith.constant 0 : i32
      %dma_wait3A_31 = arith.constant 0 : i32
      %dma_wait3A_32 = tpu.memref_slice %arg5[%arg0, %dma_wait3A, %dma_wait3A_31] : memref<2x10240x16xf32, #tpu.memory_space<hbm>> -> memref<1x10240x16xf32, #tpu.memory_space<hbm>>
      %dma_wait3A_33 = tpu.memref_squeeze %dma_wait3A_32 : memref<1x10240x16xf32, #tpu.memory_space<hbm>> -> memref<10240x16xf32, #tpu.memory_space<hbm>>
      %dma_wait3A_34 = arith.constant 0 : i32
      %dma_wait3A_35 = tpu.memref_slice %dma_wait3A_33[%mul3A_22, %dma_wait3A_34] : memref<10240x16xf32, #tpu.memory_space<hbm>> -> memref<640x16xf32, #tpu.memory_space<hbm>>
      %dma_wait3A_36 = arith.constant 0 : i32
      %dma_wait3A_37 = tpu.memref_slice %arg8[%mul3A_20, %dma_wait3A_36] : memref<10240x16xf32, #tpu.memory_space<vmem_shared>> -> memref<640x16xf32, #tpu.memory_space<vmem_shared>>
      tpu.wait_dma2 semaphore(%run_scoped3A_23 : memref<!tpu.dma_semaphore, #tpu.memory_space<semaphore_mem>>) src(%dma_wait3A_37 : memref<640x16xf32, #tpu.memory_space<vmem_shared>>) dst(%dma_wait3A_35 : memref<640x16xf32, #tpu.memory_space<hbm>>)
      tpu.yield
    }) : () -> ()
    return
  }
}

#map = affine_map<(d0, d1) -> (0, 0)>
#map1 = affine_map<(d0, d1) -> (0, 0, 0)>
module attributes {stable_mosaic.version = 14 : i64} {
  func.func @_agg_body(%arg0: i32, %arg1: i32, %arg2: memref<10240x64xf32, #tpu.memory_space<hbm>>, %arg3: memref<2x4000x80xi32, #tpu.memory_space<hbm>>, %arg4: memref<10240x64xf32, #tpu.memory_space<hbm>>, %arg5: memref<2x10240x64xf32, #tpu.memory_space<hbm>>, %arg6: memref<125x80xi32, #tpu.memory_space<vmem>>, %arg7: memref<125x80xi32, #tpu.memory_space<vmem>>, %arg8: memref<80x64xf32, #tpu.memory_space<vmem>>, %arg9: memref<80x64xf32, #tpu.memory_space<vmem>>, %arg10: memref<10240x64xf32, #tpu.memory_space<vmem_shared>>, %arg11: memref<10240x64xf32, #tpu.memory_space<vmem_shared>>, %arg12: memref<!tpu.dma_semaphore, #tpu.memory_space<semaphore_mem>>, %arg13: memref<!tpu.dma_semaphore, #tpu.memory_space<semaphore_mem>>) attributes {dimension_semantics = [#tpu.dimension_semantics<core_parallel>, #tpu.dimension_semantics<subcore_parallel>], iteration_bounds = array<i64: 2, 16>, scalar_prefetch = 0 : i64, scratch_operands = 8 : i64, tpu.core_type = #tpu.core_type<sc_vector_subcore>, window_params = [{transform_indices = #map}, {transform_indices = #map1}, {transform_indices = #map}, {transform_indices = #map1}]} {
    %mul3A = arith.constant 16 : i32
    %mul3A_0 = arith.muli %arg0, %mul3A : i32
    %add3A = arith.addi %mul3A_0, %arg1 : i32
    %mul3A_1 = arith.constant 640 : i32
    %mul3A_2 = arith.muli %arg1, %mul3A_1 : i32
    %mul3A_3 = arith.constant 640 : i32
    %mul3A_4 = arith.muli %arg1, %mul3A_3 : i32
    "tpu.region"() ({
      %run_scoped3A_30 = tpu.sem_alloc : memref<!tpu.dma_semaphore, #tpu.memory_space<semaphore_mem>>
      %dma_start3A_31 = arith.constant 0 : i32
      %dma_start3A_32 = tpu.memref_slice %arg11[%mul3A_4, %dma_start3A_31] : memref<10240x64xf32, #tpu.memory_space<vmem_shared>> -> memref<640x64xf32, #tpu.memory_space<vmem_shared>>
      %dma_start3A_33 = arith.constant 0 : i32
      %dma_start3A_34 = tpu.memref_slice %arg4[%mul3A_2, %dma_start3A_33] : memref<10240x64xf32, #tpu.memory_space<hbm>> -> memref<640x64xf32, #tpu.memory_space<hbm>>
      tpu.enqueue_dma source(%dma_start3A_34 : memref<640x64xf32, #tpu.memory_space<hbm>>) target(%dma_start3A_32 : memref<640x64xf32, #tpu.memory_space<vmem_shared>>) target_semaphore(%run_scoped3A_30 : memref<!tpu.dma_semaphore, #tpu.memory_space<semaphore_mem>>)
      %dma_wait3A = arith.constant 0 : i32
      %dma_wait3A_35 = tpu.memref_slice %arg11[%mul3A_4, %dma_wait3A] : memref<10240x64xf32, #tpu.memory_space<vmem_shared>> -> memref<640x64xf32, #tpu.memory_space<vmem_shared>>
      %dma_wait3A_36 = arith.constant 0 : i32
      %dma_wait3A_37 = tpu.memref_slice %arg4[%mul3A_2, %dma_wait3A_36] : memref<10240x64xf32, #tpu.memory_space<hbm>> -> memref<640x64xf32, #tpu.memory_space<hbm>>
      tpu.wait_dma2 semaphore(%run_scoped3A_30 : memref<!tpu.dma_semaphore, #tpu.memory_space<semaphore_mem>>) src(%dma_wait3A_37 : memref<640x64xf32, #tpu.memory_space<hbm>>) dst(%dma_wait3A_35 : memref<640x64xf32, #tpu.memory_space<vmem_shared>>)
      tpu.yield
    }) : () -> ()
    %mul3A_5 = arith.constant 640 : i32
    %mul3A_6 = arith.muli %arg1, %mul3A_5 : i32
    %mul3A_7 = arith.constant 640 : i32
    %mul3A_8 = arith.muli %arg1, %mul3A_7 : i32
    "tpu.region"() ({
      %run_scoped3A_30 = tpu.sem_alloc : memref<!tpu.dma_semaphore, #tpu.memory_space<semaphore_mem>>
      %dma_start3A_31 = arith.constant 0 : i32
      %dma_start3A_32 = tpu.memref_slice %arg10[%mul3A_8, %dma_start3A_31] : memref<10240x64xf32, #tpu.memory_space<vmem_shared>> -> memref<640x64xf32, #tpu.memory_space<vmem_shared>>
      %dma_start3A_33 = arith.constant 0 : i32
      %dma_start3A_34 = tpu.memref_slice %arg2[%mul3A_6, %dma_start3A_33] : memref<10240x64xf32, #tpu.memory_space<hbm>> -> memref<640x64xf32, #tpu.memory_space<hbm>>
      tpu.enqueue_dma source(%dma_start3A_34 : memref<640x64xf32, #tpu.memory_space<hbm>>) target(%dma_start3A_32 : memref<640x64xf32, #tpu.memory_space<vmem_shared>>) target_semaphore(%run_scoped3A_30 : memref<!tpu.dma_semaphore, #tpu.memory_space<semaphore_mem>>)
      %dma_wait3A = arith.constant 0 : i32
      %dma_wait3A_35 = tpu.memref_slice %arg10[%mul3A_8, %dma_wait3A] : memref<10240x64xf32, #tpu.memory_space<vmem_shared>> -> memref<640x64xf32, #tpu.memory_space<vmem_shared>>
      %dma_wait3A_36 = arith.constant 0 : i32
      %dma_wait3A_37 = tpu.memref_slice %arg2[%mul3A_6, %dma_wait3A_36] : memref<10240x64xf32, #tpu.memory_space<hbm>> -> memref<640x64xf32, #tpu.memory_space<hbm>>
      tpu.wait_dma2 semaphore(%run_scoped3A_30 : memref<!tpu.dma_semaphore, #tpu.memory_space<semaphore_mem>>) src(%dma_wait3A_37 : memref<640x64xf32, #tpu.memory_space<hbm>>) dst(%dma_wait3A_35 : memref<640x64xf32, #tpu.memory_space<vmem_shared>>)
      tpu.yield
    }) : () -> ()
    %mul3A_9 = arith.constant 125 : i32
    %mul3A_10 = arith.muli %add3A, %mul3A_9 : i32
    %run_scoped3A = arith.constant 0 : i32
    "tpu.region"() ({
      %run_scoped3A_30 = tpu.sem_alloc : memref<!tpu.dma_semaphore, #tpu.memory_space<semaphore_mem>>
      %dma_start3A_31 = arith.constant 0 : i32
      %dma_start3A_32 = arith.constant 0 : i32
      %dma_start3A_33 = tpu.memref_slice %arg3[%run_scoped3A, %dma_start3A_31, %dma_start3A_32] : memref<2x4000x80xi32, #tpu.memory_space<hbm>> -> memref<1x4000x80xi32, #tpu.memory_space<hbm>>
      %dma_start3A_34 = tpu.memref_squeeze %dma_start3A_33 : memref<1x4000x80xi32, #tpu.memory_space<hbm>> -> memref<4000x80xi32, #tpu.memory_space<hbm>>
      %dma_start3A_35 = arith.constant 0 : i32
      %dma_start3A_36 = tpu.memref_slice %dma_start3A_34[%mul3A_10, %dma_start3A_35] : memref<4000x80xi32, #tpu.memory_space<hbm>> -> memref<125x80xi32, #tpu.memory_space<hbm>>
      %dma_start3A_37 = arith.constant 0 : i32
      %dma_start3A_38 = arith.constant 0 : i32
      %dma_start3A_39 = tpu.memref_slice %arg3[%run_scoped3A, %dma_start3A_37, %dma_start3A_38] : memref<2x4000x80xi32, #tpu.memory_space<hbm>> -> memref<1x4000x80xi32, #tpu.memory_space<hbm>>
      %dma_start3A_40 = tpu.memref_squeeze %dma_start3A_39 : memref<1x4000x80xi32, #tpu.memory_space<hbm>> -> memref<4000x80xi32, #tpu.memory_space<hbm>>
      %dma_start3A_41 = arith.constant 0 : i32
      %dma_start3A_42 = tpu.memref_slice %dma_start3A_40[%mul3A_10, %dma_start3A_41] : memref<4000x80xi32, #tpu.memory_space<hbm>> -> memref<125x80xi32, #tpu.memory_space<hbm>>
      tpu.enqueue_dma source(%dma_start3A_42 : memref<125x80xi32, #tpu.memory_space<hbm>>) target(%arg6 : memref<125x80xi32, #tpu.memory_space<vmem>>) target_semaphore(%run_scoped3A_30 : memref<!tpu.dma_semaphore, #tpu.memory_space<semaphore_mem>>)
      %dma_wait3A = arith.constant 0 : i32
      %dma_wait3A_43 = arith.constant 0 : i32
      %dma_wait3A_44 = tpu.memref_slice %arg3[%run_scoped3A, %dma_wait3A, %dma_wait3A_43] : memref<2x4000x80xi32, #tpu.memory_space<hbm>> -> memref<1x4000x80xi32, #tpu.memory_space<hbm>>
      %dma_wait3A_45 = tpu.memref_squeeze %dma_wait3A_44 : memref<1x4000x80xi32, #tpu.memory_space<hbm>> -> memref<4000x80xi32, #tpu.memory_space<hbm>>
      %dma_wait3A_46 = arith.constant 0 : i32
      %dma_wait3A_47 = tpu.memref_slice %dma_wait3A_45[%mul3A_10, %dma_wait3A_46] : memref<4000x80xi32, #tpu.memory_space<hbm>> -> memref<125x80xi32, #tpu.memory_space<hbm>>
      %dma_wait3A_48 = arith.constant 0 : i32
      %dma_wait3A_49 = arith.constant 0 : i32
      %dma_wait3A_50 = tpu.memref_slice %arg3[%run_scoped3A, %dma_wait3A_48, %dma_wait3A_49] : memref<2x4000x80xi32, #tpu.memory_space<hbm>> -> memref<1x4000x80xi32, #tpu.memory_space<hbm>>
      %dma_wait3A_51 = tpu.memref_squeeze %dma_wait3A_50 : memref<1x4000x80xi32, #tpu.memory_space<hbm>> -> memref<4000x80xi32, #tpu.memory_space<hbm>>
      %dma_wait3A_52 = arith.constant 0 : i32
      %dma_wait3A_53 = tpu.memref_slice %dma_wait3A_51[%mul3A_10, %dma_wait3A_52] : memref<4000x80xi32, #tpu.memory_space<hbm>> -> memref<125x80xi32, #tpu.memory_space<hbm>>
      tpu.wait_dma2 semaphore(%run_scoped3A_30 : memref<!tpu.dma_semaphore, #tpu.memory_space<semaphore_mem>>) src(%dma_wait3A_53 : memref<125x80xi32, #tpu.memory_space<hbm>>) dst(%arg6 : memref<125x80xi32, #tpu.memory_space<vmem>>)
      tpu.yield
    }) : () -> ()
    %mul3A_11 = arith.constant 125 : i32
    %mul3A_12 = arith.muli %add3A, %mul3A_11 : i32
    %run_scoped3A_13 = arith.constant 1 : i32
    "tpu.region"() ({
      %run_scoped3A_30 = tpu.sem_alloc : memref<!tpu.dma_semaphore, #tpu.memory_space<semaphore_mem>>
      %dma_start3A_31 = arith.constant 0 : i32
      %dma_start3A_32 = arith.constant 0 : i32
      %dma_start3A_33 = tpu.memref_slice %arg3[%run_scoped3A_13, %dma_start3A_31, %dma_start3A_32] : memref<2x4000x80xi32, #tpu.memory_space<hbm>> -> memref<1x4000x80xi32, #tpu.memory_space<hbm>>
      %dma_start3A_34 = tpu.memref_squeeze %dma_start3A_33 : memref<1x4000x80xi32, #tpu.memory_space<hbm>> -> memref<4000x80xi32, #tpu.memory_space<hbm>>
      %dma_start3A_35 = arith.constant 0 : i32
      %dma_start3A_36 = tpu.memref_slice %dma_start3A_34[%mul3A_12, %dma_start3A_35] : memref<4000x80xi32, #tpu.memory_space<hbm>> -> memref<125x80xi32, #tpu.memory_space<hbm>>
      %dma_start3A_37 = arith.constant 0 : i32
      %dma_start3A_38 = arith.constant 0 : i32
      %dma_start3A_39 = tpu.memref_slice %arg3[%run_scoped3A_13, %dma_start3A_37, %dma_start3A_38] : memref<2x4000x80xi32, #tpu.memory_space<hbm>> -> memref<1x4000x80xi32, #tpu.memory_space<hbm>>
      %dma_start3A_40 = tpu.memref_squeeze %dma_start3A_39 : memref<1x4000x80xi32, #tpu.memory_space<hbm>> -> memref<4000x80xi32, #tpu.memory_space<hbm>>
      %dma_start3A_41 = arith.constant 0 : i32
      %dma_start3A_42 = tpu.memref_slice %dma_start3A_40[%mul3A_12, %dma_start3A_41] : memref<4000x80xi32, #tpu.memory_space<hbm>> -> memref<125x80xi32, #tpu.memory_space<hbm>>
      tpu.enqueue_dma source(%dma_start3A_42 : memref<125x80xi32, #tpu.memory_space<hbm>>) target(%arg7 : memref<125x80xi32, #tpu.memory_space<vmem>>) target_semaphore(%run_scoped3A_30 : memref<!tpu.dma_semaphore, #tpu.memory_space<semaphore_mem>>)
      %dma_wait3A = arith.constant 0 : i32
      %dma_wait3A_43 = arith.constant 0 : i32
      %dma_wait3A_44 = tpu.memref_slice %arg3[%run_scoped3A_13, %dma_wait3A, %dma_wait3A_43] : memref<2x4000x80xi32, #tpu.memory_space<hbm>> -> memref<1x4000x80xi32, #tpu.memory_space<hbm>>
      %dma_wait3A_45 = tpu.memref_squeeze %dma_wait3A_44 : memref<1x4000x80xi32, #tpu.memory_space<hbm>> -> memref<4000x80xi32, #tpu.memory_space<hbm>>
      %dma_wait3A_46 = arith.constant 0 : i32
      %dma_wait3A_47 = tpu.memref_slice %dma_wait3A_45[%mul3A_12, %dma_wait3A_46] : memref<4000x80xi32, #tpu.memory_space<hbm>> -> memref<125x80xi32, #tpu.memory_space<hbm>>
      %dma_wait3A_48 = arith.constant 0 : i32
      %dma_wait3A_49 = arith.constant 0 : i32
      %dma_wait3A_50 = tpu.memref_slice %arg3[%run_scoped3A_13, %dma_wait3A_48, %dma_wait3A_49] : memref<2x4000x80xi32, #tpu.memory_space<hbm>> -> memref<1x4000x80xi32, #tpu.memory_space<hbm>>
      %dma_wait3A_51 = tpu.memref_squeeze %dma_wait3A_50 : memref<1x4000x80xi32, #tpu.memory_space<hbm>> -> memref<4000x80xi32, #tpu.memory_space<hbm>>
      %dma_wait3A_52 = arith.constant 0 : i32
      %dma_wait3A_53 = tpu.memref_slice %dma_wait3A_51[%mul3A_12, %dma_wait3A_52] : memref<4000x80xi32, #tpu.memory_space<hbm>> -> memref<125x80xi32, #tpu.memory_space<hbm>>
      tpu.wait_dma2 semaphore(%run_scoped3A_30 : memref<!tpu.dma_semaphore, #tpu.memory_space<semaphore_mem>>) src(%dma_wait3A_53 : memref<125x80xi32, #tpu.memory_space<hbm>>) dst(%arg7 : memref<125x80xi32, #tpu.memory_space<vmem>>)
      tpu.yield
    }) : () -> ()
    %barrier3A = arith.constant 0 : index
    tpu.barrier barrier_id(%barrier3A)
    %dma_start3A = arith.constant 0 : i32
    %dma_start3A_14 = arith.constant 0 : i32
    %dma_start3A_15 = tpu.memref_slice %arg6[%dma_start3A, %dma_start3A_14] : memref<125x80xi32, #tpu.memory_space<vmem>> -> memref<1x80xi32, #tpu.memory_space<vmem>>
    %dma_start3A_16 = tpu.memref_squeeze %dma_start3A_15 : memref<1x80xi32, #tpu.memory_space<vmem>> -> memref<80xi32, #tpu.memory_space<vmem>>
    %dma_start3A_17 = arith.constant 0 : i32
    %dma_start3A_18 = arith.constant 0 : i32
    %dma_start3A_19 = tpu.memref_slice %arg10[%dma_start3A_17, %dma_start3A_18] : memref<10240x64xf32, #tpu.memory_space<vmem_shared>> -> memref<10240x64xf32, #tpu.memory_space<vmem_shared>>
    tpu.enqueue_indirect_dma source(%dma_start3A_19 : memref<10240x64xf32, #tpu.memory_space<vmem_shared>>) target(%arg8 : memref<80x64xf32, #tpu.memory_space<vmem>>) offsets(%dma_start3A_16 : memref<80xi32, #tpu.memory_space<vmem>>) semaphore(%arg12 : memref<!tpu.dma_semaphore, #tpu.memory_space<semaphore_mem>>)
    %scan3A = arith.constant 0 : i32
    %scan3A_20 = arith.constant 0 : i32
    %scan3A_21 = arith.constant 125 : i32
    %scan3A_22 = arith.addi %scan3A_20, %scan3A_21 : i32
    %scan3A_23 = arith.constant 1 : i32
    scf.for %scan3A_30 = %scan3A_20 to %scan3A_22 step %scan3A_23  : i32 {
      %rem3A = arith.constant 2 : i32
      %rem3A_31 = arith.remsi %scan3A_30, %rem3A : i32
      %eq3A = arith.constant 0 : i32
      %eq3A_32 = arith.cmpi eq, %rem3A_31, %eq3A : i32
      %convert_element_type3A = arith.extui %eq3A_32 : i1 to i32
      %cond3A = arith.constant 0 : i32
      %cond3A_33 = arith.cmpi ne, %convert_element_type3A, %cond3A : i32
      scf.if %cond3A_33 {
        %dma_wait3A = arith.constant 0 : i32
        %dma_wait3A_38 = arith.constant 0 : i32
        %dma_wait3A_39 = tpu.memref_slice %arg6[%dma_wait3A, %dma_wait3A_38] : memref<125x80xi32, #tpu.memory_space<vmem>> -> memref<1x80xi32, #tpu.memory_space<vmem>>
        %dma_wait3A_40 = tpu.memref_squeeze %dma_wait3A_39 : memref<1x80xi32, #tpu.memory_space<vmem>> -> memref<80xi32, #tpu.memory_space<vmem>>
        %dma_wait3A_41 = arith.constant 0 : i32
        %dma_wait3A_42 = arith.constant 0 : i32
        %dma_wait3A_43 = tpu.memref_slice %arg10[%dma_wait3A_41, %dma_wait3A_42] : memref<10240x64xf32, #tpu.memory_space<vmem_shared>> -> memref<10240x64xf32, #tpu.memory_space<vmem_shared>>
        tpu.wait_indirect_dma semaphore(%arg12 : memref<!tpu.dma_semaphore, #tpu.memory_space<semaphore_mem>>) src(%dma_wait3A_43 : memref<10240x64xf32, #tpu.memory_space<vmem_shared>>) dst(%arg8 : memref<80x64xf32, #tpu.memory_space<vmem>>)
        %add3A_44 = arith.constant 1 : i32
        %add3A_45 = arith.addi %scan3A_30, %add3A_44 : i32
        %lt3A = arith.constant 125 : i32
        %lt3A_46 = arith.cmpi slt, %add3A_45, %lt3A : i32
        %convert_element_type3A_47 = arith.extui %lt3A_46 : i1 to i32
        %cond3A_48 = arith.constant 0 : i32
        %cond3A_49 = arith.cmpi ne, %convert_element_type3A_47, %cond3A_48 : i32
        scf.if %cond3A_49 {
          %add3A_50 = arith.constant 1 : i32
          %add3A_51 = arith.addi %scan3A_30, %add3A_50 : i32
          %dma_start3A_52 = arith.constant 0 : i32
          %dma_start3A_53 = tpu.memref_slice %arg6[%add3A_51, %dma_start3A_52] : memref<125x80xi32, #tpu.memory_space<vmem>> -> memref<1x80xi32, #tpu.memory_space<vmem>>
          %dma_start3A_54 = tpu.memref_squeeze %dma_start3A_53 : memref<1x80xi32, #tpu.memory_space<vmem>> -> memref<80xi32, #tpu.memory_space<vmem>>
          %dma_start3A_55 = arith.constant 0 : i32
          %dma_start3A_56 = arith.constant 0 : i32
          %dma_start3A_57 = tpu.memref_slice %arg10[%dma_start3A_55, %dma_start3A_56] : memref<10240x64xf32, #tpu.memory_space<vmem_shared>> -> memref<10240x64xf32, #tpu.memory_space<vmem_shared>>
          tpu.enqueue_indirect_dma source(%dma_start3A_57 : memref<10240x64xf32, #tpu.memory_space<vmem_shared>>) target(%arg9 : memref<80x64xf32, #tpu.memory_space<vmem>>) offsets(%dma_start3A_54 : memref<80xi32, #tpu.memory_space<vmem>>) semaphore(%arg13 : memref<!tpu.dma_semaphore, #tpu.memory_space<semaphore_mem>>)
        } else {
        }
        "tpu.region"() ({
          %run_scoped3A_50 = tpu.sem_alloc : memref<!tpu.dma_semaphore, #tpu.memory_space<semaphore_mem>>
          %dma_start3A_51 = arith.constant 0 : i32
          %dma_start3A_52 = tpu.memref_slice %arg7[%scan3A_30, %dma_start3A_51] : memref<125x80xi32, #tpu.memory_space<vmem>> -> memref<1x80xi32, #tpu.memory_space<vmem>>
          %dma_start3A_53 = tpu.memref_squeeze %dma_start3A_52 : memref<1x80xi32, #tpu.memory_space<vmem>> -> memref<80xi32, #tpu.memory_space<vmem>>
          %dma_start3A_54 = arith.constant 0 : i32
          %dma_start3A_55 = arith.constant 0 : i32
          %dma_start3A_56 = tpu.memref_slice %arg11[%dma_start3A_54, %dma_start3A_55] : memref<10240x64xf32, #tpu.memory_space<vmem_shared>> -> memref<10240x64xf32, #tpu.memory_space<vmem_shared>>
          tpu.enqueue_indirect_dma source(%arg8 : memref<80x64xf32, #tpu.memory_space<vmem>>) target(%dma_start3A_56 : memref<10240x64xf32, #tpu.memory_space<vmem_shared>>) offsets(%dma_start3A_53 : memref<80xi32, #tpu.memory_space<vmem>>) semaphore(%run_scoped3A_50 : memref<!tpu.dma_semaphore, #tpu.memory_space<semaphore_mem>>) {add = true}
          %dma_wait3A_57 = arith.constant 0 : i32
          %dma_wait3A_58 = tpu.memref_slice %arg7[%scan3A_30, %dma_wait3A_57] : memref<125x80xi32, #tpu.memory_space<vmem>> -> memref<1x80xi32, #tpu.memory_space<vmem>>
          %dma_wait3A_59 = tpu.memref_squeeze %dma_wait3A_58 : memref<1x80xi32, #tpu.memory_space<vmem>> -> memref<80xi32, #tpu.memory_space<vmem>>
          %dma_wait3A_60 = arith.constant 0 : i32
          %dma_wait3A_61 = arith.constant 0 : i32
          %dma_wait3A_62 = tpu.memref_slice %arg11[%dma_wait3A_60, %dma_wait3A_61] : memref<10240x64xf32, #tpu.memory_space<vmem_shared>> -> memref<10240x64xf32, #tpu.memory_space<vmem_shared>>
          tpu.wait_indirect_dma semaphore(%run_scoped3A_50 : memref<!tpu.dma_semaphore, #tpu.memory_space<semaphore_mem>>) src(%arg8 : memref<80x64xf32, #tpu.memory_space<vmem>>) dst(%dma_wait3A_62 : memref<10240x64xf32, #tpu.memory_space<vmem_shared>>)
          tpu.yield
        }) : () -> ()
      } else {
      }
      %not3A = arith.constant true
      %not3A_34 = arith.xori %eq3A_32, %not3A : i1
      %convert_element_type3A_35 = arith.extui %not3A_34 : i1 to i32
      %cond3A_36 = arith.constant 0 : i32
      %cond3A_37 = arith.cmpi ne, %convert_element_type3A_35, %cond3A_36 : i32
      scf.if %cond3A_37 {
        %dma_wait3A = arith.constant 0 : i32
        %dma_wait3A_38 = arith.constant 0 : i32
        %dma_wait3A_39 = tpu.memref_slice %arg6[%dma_wait3A, %dma_wait3A_38] : memref<125x80xi32, #tpu.memory_space<vmem>> -> memref<1x80xi32, #tpu.memory_space<vmem>>
        %dma_wait3A_40 = tpu.memref_squeeze %dma_wait3A_39 : memref<1x80xi32, #tpu.memory_space<vmem>> -> memref<80xi32, #tpu.memory_space<vmem>>
        %dma_wait3A_41 = arith.constant 0 : i32
        %dma_wait3A_42 = arith.constant 0 : i32
        %dma_wait3A_43 = tpu.memref_slice %arg10[%dma_wait3A_41, %dma_wait3A_42] : memref<10240x64xf32, #tpu.memory_space<vmem_shared>> -> memref<10240x64xf32, #tpu.memory_space<vmem_shared>>
        tpu.wait_indirect_dma semaphore(%arg13 : memref<!tpu.dma_semaphore, #tpu.memory_space<semaphore_mem>>) src(%dma_wait3A_43 : memref<10240x64xf32, #tpu.memory_space<vmem_shared>>) dst(%arg9 : memref<80x64xf32, #tpu.memory_space<vmem>>)
        %add3A_44 = arith.constant 1 : i32
        %add3A_45 = arith.addi %scan3A_30, %add3A_44 : i32
        %lt3A = arith.constant 125 : i32
        %lt3A_46 = arith.cmpi slt, %add3A_45, %lt3A : i32
        %convert_element_type3A_47 = arith.extui %lt3A_46 : i1 to i32
        %cond3A_48 = arith.constant 0 : i32
        %cond3A_49 = arith.cmpi ne, %convert_element_type3A_47, %cond3A_48 : i32
        scf.if %cond3A_49 {
          %add3A_50 = arith.constant 1 : i32
          %add3A_51 = arith.addi %scan3A_30, %add3A_50 : i32
          %dma_start3A_52 = arith.constant 0 : i32
          %dma_start3A_53 = tpu.memref_slice %arg6[%add3A_51, %dma_start3A_52] : memref<125x80xi32, #tpu.memory_space<vmem>> -> memref<1x80xi32, #tpu.memory_space<vmem>>
          %dma_start3A_54 = tpu.memref_squeeze %dma_start3A_53 : memref<1x80xi32, #tpu.memory_space<vmem>> -> memref<80xi32, #tpu.memory_space<vmem>>
          %dma_start3A_55 = arith.constant 0 : i32
          %dma_start3A_56 = arith.constant 0 : i32
          %dma_start3A_57 = tpu.memref_slice %arg10[%dma_start3A_55, %dma_start3A_56] : memref<10240x64xf32, #tpu.memory_space<vmem_shared>> -> memref<10240x64xf32, #tpu.memory_space<vmem_shared>>
          tpu.enqueue_indirect_dma source(%dma_start3A_57 : memref<10240x64xf32, #tpu.memory_space<vmem_shared>>) target(%arg8 : memref<80x64xf32, #tpu.memory_space<vmem>>) offsets(%dma_start3A_54 : memref<80xi32, #tpu.memory_space<vmem>>) semaphore(%arg12 : memref<!tpu.dma_semaphore, #tpu.memory_space<semaphore_mem>>)
        } else {
        }
        "tpu.region"() ({
          %run_scoped3A_50 = tpu.sem_alloc : memref<!tpu.dma_semaphore, #tpu.memory_space<semaphore_mem>>
          %dma_start3A_51 = arith.constant 0 : i32
          %dma_start3A_52 = tpu.memref_slice %arg7[%scan3A_30, %dma_start3A_51] : memref<125x80xi32, #tpu.memory_space<vmem>> -> memref<1x80xi32, #tpu.memory_space<vmem>>
          %dma_start3A_53 = tpu.memref_squeeze %dma_start3A_52 : memref<1x80xi32, #tpu.memory_space<vmem>> -> memref<80xi32, #tpu.memory_space<vmem>>
          %dma_start3A_54 = arith.constant 0 : i32
          %dma_start3A_55 = arith.constant 0 : i32
          %dma_start3A_56 = tpu.memref_slice %arg11[%dma_start3A_54, %dma_start3A_55] : memref<10240x64xf32, #tpu.memory_space<vmem_shared>> -> memref<10240x64xf32, #tpu.memory_space<vmem_shared>>
          tpu.enqueue_indirect_dma source(%arg9 : memref<80x64xf32, #tpu.memory_space<vmem>>) target(%dma_start3A_56 : memref<10240x64xf32, #tpu.memory_space<vmem_shared>>) offsets(%dma_start3A_53 : memref<80xi32, #tpu.memory_space<vmem>>) semaphore(%run_scoped3A_50 : memref<!tpu.dma_semaphore, #tpu.memory_space<semaphore_mem>>) {add = true}
          %dma_wait3A_57 = arith.constant 0 : i32
          %dma_wait3A_58 = tpu.memref_slice %arg7[%scan3A_30, %dma_wait3A_57] : memref<125x80xi32, #tpu.memory_space<vmem>> -> memref<1x80xi32, #tpu.memory_space<vmem>>
          %dma_wait3A_59 = tpu.memref_squeeze %dma_wait3A_58 : memref<1x80xi32, #tpu.memory_space<vmem>> -> memref<80xi32, #tpu.memory_space<vmem>>
          %dma_wait3A_60 = arith.constant 0 : i32
          %dma_wait3A_61 = arith.constant 0 : i32
          %dma_wait3A_62 = tpu.memref_slice %arg11[%dma_wait3A_60, %dma_wait3A_61] : memref<10240x64xf32, #tpu.memory_space<vmem_shared>> -> memref<10240x64xf32, #tpu.memory_space<vmem_shared>>
          tpu.wait_indirect_dma semaphore(%run_scoped3A_50 : memref<!tpu.dma_semaphore, #tpu.memory_space<semaphore_mem>>) src(%arg9 : memref<80x64xf32, #tpu.memory_space<vmem>>) dst(%dma_wait3A_62 : memref<10240x64xf32, #tpu.memory_space<vmem_shared>>)
          tpu.yield
        }) : () -> ()
      } else {
      }
    }
    %scan3A_24 = arith.constant 125 : i32
    %barrier3A_25 = arith.constant 0 : index
    tpu.barrier barrier_id(%barrier3A_25)
    %mul3A_26 = arith.constant 640 : i32
    %mul3A_27 = arith.muli %arg1, %mul3A_26 : i32
    %mul3A_28 = arith.constant 640 : i32
    %mul3A_29 = arith.muli %arg1, %mul3A_28 : i32
    "tpu.region"() ({
      %run_scoped3A_30 = tpu.sem_alloc : memref<!tpu.dma_semaphore, #tpu.memory_space<semaphore_mem>>
      %dma_start3A_31 = arith.constant 0 : i32
      %dma_start3A_32 = arith.constant 0 : i32
      %dma_start3A_33 = tpu.memref_slice %arg5[%arg0, %dma_start3A_31, %dma_start3A_32] : memref<2x10240x64xf32, #tpu.memory_space<hbm>> -> memref<1x10240x64xf32, #tpu.memory_space<hbm>>
      %dma_start3A_34 = tpu.memref_squeeze %dma_start3A_33 : memref<1x10240x64xf32, #tpu.memory_space<hbm>> -> memref<10240x64xf32, #tpu.memory_space<hbm>>
      %dma_start3A_35 = arith.constant 0 : i32
      %dma_start3A_36 = tpu.memref_slice %dma_start3A_34[%mul3A_29, %dma_start3A_35] : memref<10240x64xf32, #tpu.memory_space<hbm>> -> memref<640x64xf32, #tpu.memory_space<hbm>>
      %dma_start3A_37 = arith.constant 0 : i32
      %dma_start3A_38 = tpu.memref_slice %arg11[%mul3A_27, %dma_start3A_37] : memref<10240x64xf32, #tpu.memory_space<vmem_shared>> -> memref<640x64xf32, #tpu.memory_space<vmem_shared>>
      tpu.enqueue_dma source(%dma_start3A_38 : memref<640x64xf32, #tpu.memory_space<vmem_shared>>) target(%dma_start3A_36 : memref<640x64xf32, #tpu.memory_space<hbm>>) target_semaphore(%run_scoped3A_30 : memref<!tpu.dma_semaphore, #tpu.memory_space<semaphore_mem>>)
      %dma_wait3A = arith.constant 0 : i32
      %dma_wait3A_39 = arith.constant 0 : i32
      %dma_wait3A_40 = tpu.memref_slice %arg5[%arg0, %dma_wait3A, %dma_wait3A_39] : memref<2x10240x64xf32, #tpu.memory_space<hbm>> -> memref<1x10240x64xf32, #tpu.memory_space<hbm>>
      %dma_wait3A_41 = tpu.memref_squeeze %dma_wait3A_40 : memref<1x10240x64xf32, #tpu.memory_space<hbm>> -> memref<10240x64xf32, #tpu.memory_space<hbm>>
      %dma_wait3A_42 = arith.constant 0 : i32
      %dma_wait3A_43 = tpu.memref_slice %dma_wait3A_41[%mul3A_29, %dma_wait3A_42] : memref<10240x64xf32, #tpu.memory_space<hbm>> -> memref<640x64xf32, #tpu.memory_space<hbm>>
      %dma_wait3A_44 = arith.constant 0 : i32
      %dma_wait3A_45 = tpu.memref_slice %arg11[%mul3A_27, %dma_wait3A_44] : memref<10240x64xf32, #tpu.memory_space<vmem_shared>> -> memref<640x64xf32, #tpu.memory_space<vmem_shared>>
      tpu.wait_dma2 semaphore(%run_scoped3A_30 : memref<!tpu.dma_semaphore, #tpu.memory_space<semaphore_mem>>) src(%dma_wait3A_45 : memref<640x64xf32, #tpu.memory_space<vmem_shared>>) dst(%dma_wait3A_43 : memref<640x64xf32, #tpu.memory_space<hbm>>)
      tpu.yield
    }) : () -> ()
    return
  }
}

#map = affine_map<(d0, d1) -> (0, 0)>
#map1 = affine_map<(d0, d1) -> (0, 0, 0)>
module attributes {stable_mosaic.version = 14 : i64} {
  func.func @_agg_body(%arg0: i32, %arg1: i32, %arg2: memref<10240x64xf32, #tpu.memory_space<hbm>>, %arg3: memref<2x4000x80xi32, #tpu.memory_space<hbm>>, %arg4: memref<10240x64xf32, #tpu.memory_space<hbm>>, %arg5: memref<2x10240x64xf32, #tpu.memory_space<hbm>>, %arg6: memref<125x80xi32, #tpu.memory_space<vmem>>, %arg7: memref<125x80xi32, #tpu.memory_space<vmem>>, %arg8: memref<80x64xf32, #tpu.memory_space<vmem>>, %arg9: memref<80x64xf32, #tpu.memory_space<vmem>>, %arg10: memref<10240x64xf32, #tpu.memory_space<vmem_shared>>, %arg11: memref<10240x64xf32, #tpu.memory_space<vmem_shared>>, %arg12: memref<!tpu.dma_semaphore, #tpu.memory_space<semaphore_mem>>, %arg13: memref<!tpu.dma_semaphore, #tpu.memory_space<semaphore_mem>>) attributes {dimension_semantics = [#tpu.dimension_semantics<core_parallel>, #tpu.dimension_semantics<subcore_parallel>], iteration_bounds = array<i64: 2, 16>, scalar_prefetch = 0 : i64, scratch_operands = 8 : i64, tpu.core_type = #tpu.core_type<sc_vector_subcore>, window_params = [{transform_indices = #map}, {transform_indices = #map1}, {transform_indices = #map}, {transform_indices = #map1}]} {
    %mul3A = arith.constant 16 : i32
    %mul3A_0 = arith.muli %arg0, %mul3A : i32
    %add3A = arith.addi %mul3A_0, %arg1 : i32
    %mul3A_1 = arith.constant 640 : i32
    %mul3A_2 = arith.muli %arg1, %mul3A_1 : i32
    %mul3A_3 = arith.constant 640 : i32
    %mul3A_4 = arith.muli %arg1, %mul3A_3 : i32
    "tpu.region"() ({
      %run_scoped3A_30 = tpu.sem_alloc : memref<!tpu.dma_semaphore, #tpu.memory_space<semaphore_mem>>
      %dma_start3A_31 = arith.constant 0 : i32
      %dma_start3A_32 = tpu.memref_slice %arg11[%mul3A_4, %dma_start3A_31] : memref<10240x64xf32, #tpu.memory_space<vmem_shared>> -> memref<640x64xf32, #tpu.memory_space<vmem_shared>>
      %dma_start3A_33 = arith.constant 0 : i32
      %dma_start3A_34 = tpu.memref_slice %arg4[%mul3A_2, %dma_start3A_33] : memref<10240x64xf32, #tpu.memory_space<hbm>> -> memref<640x64xf32, #tpu.memory_space<hbm>>
      tpu.enqueue_dma source(%dma_start3A_34 : memref<640x64xf32, #tpu.memory_space<hbm>>) target(%dma_start3A_32 : memref<640x64xf32, #tpu.memory_space<vmem_shared>>) target_semaphore(%run_scoped3A_30 : memref<!tpu.dma_semaphore, #tpu.memory_space<semaphore_mem>>)
      %dma_wait3A = arith.constant 0 : i32
      %dma_wait3A_35 = tpu.memref_slice %arg11[%mul3A_4, %dma_wait3A] : memref<10240x64xf32, #tpu.memory_space<vmem_shared>> -> memref<640x64xf32, #tpu.memory_space<vmem_shared>>
      %dma_wait3A_36 = arith.constant 0 : i32
      %dma_wait3A_37 = tpu.memref_slice %arg4[%mul3A_2, %dma_wait3A_36] : memref<10240x64xf32, #tpu.memory_space<hbm>> -> memref<640x64xf32, #tpu.memory_space<hbm>>
      tpu.wait_dma2 semaphore(%run_scoped3A_30 : memref<!tpu.dma_semaphore, #tpu.memory_space<semaphore_mem>>) src(%dma_wait3A_37 : memref<640x64xf32, #tpu.memory_space<hbm>>) dst(%dma_wait3A_35 : memref<640x64xf32, #tpu.memory_space<vmem_shared>>)
      tpu.yield
    }) : () -> ()
    %mul3A_5 = arith.constant 640 : i32
    %mul3A_6 = arith.muli %arg1, %mul3A_5 : i32
    %mul3A_7 = arith.constant 640 : i32
    %mul3A_8 = arith.muli %arg1, %mul3A_7 : i32
    "tpu.region"() ({
      %run_scoped3A_30 = tpu.sem_alloc : memref<!tpu.dma_semaphore, #tpu.memory_space<semaphore_mem>>
      %dma_start3A_31 = arith.constant 0 : i32
      %dma_start3A_32 = tpu.memref_slice %arg10[%mul3A_8, %dma_start3A_31] : memref<10240x64xf32, #tpu.memory_space<vmem_shared>> -> memref<640x64xf32, #tpu.memory_space<vmem_shared>>
      %dma_start3A_33 = arith.constant 0 : i32
      %dma_start3A_34 = tpu.memref_slice %arg2[%mul3A_6, %dma_start3A_33] : memref<10240x64xf32, #tpu.memory_space<hbm>> -> memref<640x64xf32, #tpu.memory_space<hbm>>
      tpu.enqueue_dma source(%dma_start3A_34 : memref<640x64xf32, #tpu.memory_space<hbm>>) target(%dma_start3A_32 : memref<640x64xf32, #tpu.memory_space<vmem_shared>>) target_semaphore(%run_scoped3A_30 : memref<!tpu.dma_semaphore, #tpu.memory_space<semaphore_mem>>)
      %dma_wait3A = arith.constant 0 : i32
      %dma_wait3A_35 = tpu.memref_slice %arg10[%mul3A_8, %dma_wait3A] : memref<10240x64xf32, #tpu.memory_space<vmem_shared>> -> memref<640x64xf32, #tpu.memory_space<vmem_shared>>
      %dma_wait3A_36 = arith.constant 0 : i32
      %dma_wait3A_37 = tpu.memref_slice %arg2[%mul3A_6, %dma_wait3A_36] : memref<10240x64xf32, #tpu.memory_space<hbm>> -> memref<640x64xf32, #tpu.memory_space<hbm>>
      tpu.wait_dma2 semaphore(%run_scoped3A_30 : memref<!tpu.dma_semaphore, #tpu.memory_space<semaphore_mem>>) src(%dma_wait3A_37 : memref<640x64xf32, #tpu.memory_space<hbm>>) dst(%dma_wait3A_35 : memref<640x64xf32, #tpu.memory_space<vmem_shared>>)
      tpu.yield
    }) : () -> ()
    %mul3A_9 = arith.constant 125 : i32
    %mul3A_10 = arith.muli %add3A, %mul3A_9 : i32
    %run_scoped3A = arith.constant 0 : i32
    "tpu.region"() ({
      %run_scoped3A_30 = tpu.sem_alloc : memref<!tpu.dma_semaphore, #tpu.memory_space<semaphore_mem>>
      %dma_start3A_31 = arith.constant 0 : i32
      %dma_start3A_32 = arith.constant 0 : i32
      %dma_start3A_33 = tpu.memref_slice %arg3[%run_scoped3A, %dma_start3A_31, %dma_start3A_32] : memref<2x4000x80xi32, #tpu.memory_space<hbm>> -> memref<1x4000x80xi32, #tpu.memory_space<hbm>>
      %dma_start3A_34 = tpu.memref_squeeze %dma_start3A_33 : memref<1x4000x80xi32, #tpu.memory_space<hbm>> -> memref<4000x80xi32, #tpu.memory_space<hbm>>
      %dma_start3A_35 = arith.constant 0 : i32
      %dma_start3A_36 = tpu.memref_slice %dma_start3A_34[%mul3A_10, %dma_start3A_35] : memref<4000x80xi32, #tpu.memory_space<hbm>> -> memref<125x80xi32, #tpu.memory_space<hbm>>
      %dma_start3A_37 = arith.constant 0 : i32
      %dma_start3A_38 = arith.constant 0 : i32
      %dma_start3A_39 = tpu.memref_slice %arg3[%run_scoped3A, %dma_start3A_37, %dma_start3A_38] : memref<2x4000x80xi32, #tpu.memory_space<hbm>> -> memref<1x4000x80xi32, #tpu.memory_space<hbm>>
      %dma_start3A_40 = tpu.memref_squeeze %dma_start3A_39 : memref<1x4000x80xi32, #tpu.memory_space<hbm>> -> memref<4000x80xi32, #tpu.memory_space<hbm>>
      %dma_start3A_41 = arith.constant 0 : i32
      %dma_start3A_42 = tpu.memref_slice %dma_start3A_40[%mul3A_10, %dma_start3A_41] : memref<4000x80xi32, #tpu.memory_space<hbm>> -> memref<125x80xi32, #tpu.memory_space<hbm>>
      tpu.enqueue_dma source(%dma_start3A_42 : memref<125x80xi32, #tpu.memory_space<hbm>>) target(%arg6 : memref<125x80xi32, #tpu.memory_space<vmem>>) target_semaphore(%run_scoped3A_30 : memref<!tpu.dma_semaphore, #tpu.memory_space<semaphore_mem>>)
      %dma_wait3A = arith.constant 0 : i32
      %dma_wait3A_43 = arith.constant 0 : i32
      %dma_wait3A_44 = tpu.memref_slice %arg3[%run_scoped3A, %dma_wait3A, %dma_wait3A_43] : memref<2x4000x80xi32, #tpu.memory_space<hbm>> -> memref<1x4000x80xi32, #tpu.memory_space<hbm>>
      %dma_wait3A_45 = tpu.memref_squeeze %dma_wait3A_44 : memref<1x4000x80xi32, #tpu.memory_space<hbm>> -> memref<4000x80xi32, #tpu.memory_space<hbm>>
      %dma_wait3A_46 = arith.constant 0 : i32
      %dma_wait3A_47 = tpu.memref_slice %dma_wait3A_45[%mul3A_10, %dma_wait3A_46] : memref<4000x80xi32, #tpu.memory_space<hbm>> -> memref<125x80xi32, #tpu.memory_space<hbm>>
      %dma_wait3A_48 = arith.constant 0 : i32
      %dma_wait3A_49 = arith.constant 0 : i32
      %dma_wait3A_50 = tpu.memref_slice %arg3[%run_scoped3A, %dma_wait3A_48, %dma_wait3A_49] : memref<2x4000x80xi32, #tpu.memory_space<hbm>> -> memref<1x4000x80xi32, #tpu.memory_space<hbm>>
      %dma_wait3A_51 = tpu.memref_squeeze %dma_wait3A_50 : memref<1x4000x80xi32, #tpu.memory_space<hbm>> -> memref<4000x80xi32, #tpu.memory_space<hbm>>
      %dma_wait3A_52 = arith.constant 0 : i32
      %dma_wait3A_53 = tpu.memref_slice %dma_wait3A_51[%mul3A_10, %dma_wait3A_52] : memref<4000x80xi32, #tpu.memory_space<hbm>> -> memref<125x80xi32, #tpu.memory_space<hbm>>
      tpu.wait_dma2 semaphore(%run_scoped3A_30 : memref<!tpu.dma_semaphore, #tpu.memory_space<semaphore_mem>>) src(%dma_wait3A_53 : memref<125x80xi32, #tpu.memory_space<hbm>>) dst(%arg6 : memref<125x80xi32, #tpu.memory_space<vmem>>)
      tpu.yield
    }) : () -> ()
    %mul3A_11 = arith.constant 125 : i32
    %mul3A_12 = arith.muli %add3A, %mul3A_11 : i32
    %run_scoped3A_13 = arith.constant 1 : i32
    "tpu.region"() ({
      %run_scoped3A_30 = tpu.sem_alloc : memref<!tpu.dma_semaphore, #tpu.memory_space<semaphore_mem>>
      %dma_start3A_31 = arith.constant 0 : i32
      %dma_start3A_32 = arith.constant 0 : i32
      %dma_start3A_33 = tpu.memref_slice %arg3[%run_scoped3A_13, %dma_start3A_31, %dma_start3A_32] : memref<2x4000x80xi32, #tpu.memory_space<hbm>> -> memref<1x4000x80xi32, #tpu.memory_space<hbm>>
      %dma_start3A_34 = tpu.memref_squeeze %dma_start3A_33 : memref<1x4000x80xi32, #tpu.memory_space<hbm>> -> memref<4000x80xi32, #tpu.memory_space<hbm>>
      %dma_start3A_35 = arith.constant 0 : i32
      %dma_start3A_36 = tpu.memref_slice %dma_start3A_34[%mul3A_12, %dma_start3A_35] : memref<4000x80xi32, #tpu.memory_space<hbm>> -> memref<125x80xi32, #tpu.memory_space<hbm>>
      %dma_start3A_37 = arith.constant 0 : i32
      %dma_start3A_38 = arith.constant 0 : i32
      %dma_start3A_39 = tpu.memref_slice %arg3[%run_scoped3A_13, %dma_start3A_37, %dma_start3A_38] : memref<2x4000x80xi32, #tpu.memory_space<hbm>> -> memref<1x4000x80xi32, #tpu.memory_space<hbm>>
      %dma_start3A_40 = tpu.memref_squeeze %dma_start3A_39 : memref<1x4000x80xi32, #tpu.memory_space<hbm>> -> memref<4000x80xi32, #tpu.memory_space<hbm>>
      %dma_start3A_41 = arith.constant 0 : i32
      %dma_start3A_42 = tpu.memref_slice %dma_start3A_40[%mul3A_12, %dma_start3A_41] : memref<4000x80xi32, #tpu.memory_space<hbm>> -> memref<125x80xi32, #tpu.memory_space<hbm>>
      tpu.enqueue_dma source(%dma_start3A_42 : memref<125x80xi32, #tpu.memory_space<hbm>>) target(%arg7 : memref<125x80xi32, #tpu.memory_space<vmem>>) target_semaphore(%run_scoped3A_30 : memref<!tpu.dma_semaphore, #tpu.memory_space<semaphore_mem>>)
      %dma_wait3A = arith.constant 0 : i32
      %dma_wait3A_43 = arith.constant 0 : i32
      %dma_wait3A_44 = tpu.memref_slice %arg3[%run_scoped3A_13, %dma_wait3A, %dma_wait3A_43] : memref<2x4000x80xi32, #tpu.memory_space<hbm>> -> memref<1x4000x80xi32, #tpu.memory_space<hbm>>
      %dma_wait3A_45 = tpu.memref_squeeze %dma_wait3A_44 : memref<1x4000x80xi32, #tpu.memory_space<hbm>> -> memref<4000x80xi32, #tpu.memory_space<hbm>>
      %dma_wait3A_46 = arith.constant 0 : i32
      %dma_wait3A_47 = tpu.memref_slice %dma_wait3A_45[%mul3A_12, %dma_wait3A_46] : memref<4000x80xi32, #tpu.memory_space<hbm>> -> memref<125x80xi32, #tpu.memory_space<hbm>>
      %dma_wait3A_48 = arith.constant 0 : i32
      %dma_wait3A_49 = arith.constant 0 : i32
      %dma_wait3A_50 = tpu.memref_slice %arg3[%run_scoped3A_13, %dma_wait3A_48, %dma_wait3A_49] : memref<2x4000x80xi32, #tpu.memory_space<hbm>> -> memref<1x4000x80xi32, #tpu.memory_space<hbm>>
      %dma_wait3A_51 = tpu.memref_squeeze %dma_wait3A_50 : memref<1x4000x80xi32, #tpu.memory_space<hbm>> -> memref<4000x80xi32, #tpu.memory_space<hbm>>
      %dma_wait3A_52 = arith.constant 0 : i32
      %dma_wait3A_53 = tpu.memref_slice %dma_wait3A_51[%mul3A_12, %dma_wait3A_52] : memref<4000x80xi32, #tpu.memory_space<hbm>> -> memref<125x80xi32, #tpu.memory_space<hbm>>
      tpu.wait_dma2 semaphore(%run_scoped3A_30 : memref<!tpu.dma_semaphore, #tpu.memory_space<semaphore_mem>>) src(%dma_wait3A_53 : memref<125x80xi32, #tpu.memory_space<hbm>>) dst(%arg7 : memref<125x80xi32, #tpu.memory_space<vmem>>)
      tpu.yield
    }) : () -> ()
    %barrier3A = arith.constant 0 : index
    tpu.barrier barrier_id(%barrier3A)
    %dma_start3A = arith.constant 0 : i32
    %dma_start3A_14 = arith.constant 0 : i32
    %dma_start3A_15 = tpu.memref_slice %arg6[%dma_start3A, %dma_start3A_14] : memref<125x80xi32, #tpu.memory_space<vmem>> -> memref<1x80xi32, #tpu.memory_space<vmem>>
    %dma_start3A_16 = tpu.memref_squeeze %dma_start3A_15 : memref<1x80xi32, #tpu.memory_space<vmem>> -> memref<80xi32, #tpu.memory_space<vmem>>
    %dma_start3A_17 = arith.constant 0 : i32
    %dma_start3A_18 = arith.constant 0 : i32
    %dma_start3A_19 = tpu.memref_slice %arg10[%dma_start3A_17, %dma_start3A_18] : memref<10240x64xf32, #tpu.memory_space<vmem_shared>> -> memref<10240x64xf32, #tpu.memory_space<vmem_shared>>
    tpu.enqueue_indirect_dma source(%dma_start3A_19 : memref<10240x64xf32, #tpu.memory_space<vmem_shared>>) target(%arg8 : memref<80x64xf32, #tpu.memory_space<vmem>>) offsets(%dma_start3A_16 : memref<80xi32, #tpu.memory_space<vmem>>) semaphore(%arg12 : memref<!tpu.dma_semaphore, #tpu.memory_space<semaphore_mem>>)
    %scan3A = arith.constant 0 : i32
    %scan3A_20 = arith.constant 0 : i32
    %scan3A_21 = arith.constant 125 : i32
    %scan3A_22 = arith.addi %scan3A_20, %scan3A_21 : i32
    %scan3A_23 = arith.constant 1 : i32
    scf.for %scan3A_30 = %scan3A_20 to %scan3A_22 step %scan3A_23  : i32 {
      %rem3A = arith.constant 2 : i32
      %rem3A_31 = arith.remsi %scan3A_30, %rem3A : i32
      %eq3A = arith.constant 0 : i32
      %eq3A_32 = arith.cmpi eq, %rem3A_31, %eq3A : i32
      %convert_element_type3A = arith.extui %eq3A_32 : i1 to i32
      %cond3A = arith.constant 0 : i32
      %cond3A_33 = arith.cmpi ne, %convert_element_type3A, %cond3A : i32
      scf.if %cond3A_33 {
        %dma_wait3A = arith.constant 0 : i32
        %dma_wait3A_38 = arith.constant 0 : i32
        %dma_wait3A_39 = tpu.memref_slice %arg6[%dma_wait3A, %dma_wait3A_38] : memref<125x80xi32, #tpu.memory_space<vmem>> -> memref<1x80xi32, #tpu.memory_space<vmem>>
        %dma_wait3A_40 = tpu.memref_squeeze %dma_wait3A_39 : memref<1x80xi32, #tpu.memory_space<vmem>> -> memref<80xi32, #tpu.memory_space<vmem>>
        %dma_wait3A_41 = arith.constant 0 : i32
        %dma_wait3A_42 = arith.constant 0 : i32
        %dma_wait3A_43 = tpu.memref_slice %arg10[%dma_wait3A_41, %dma_wait3A_42] : memref<10240x64xf32, #tpu.memory_space<vmem_shared>> -> memref<10240x64xf32, #tpu.memory_space<vmem_shared>>
        tpu.wait_indirect_dma semaphore(%arg12 : memref<!tpu.dma_semaphore, #tpu.memory_space<semaphore_mem>>) src(%dma_wait3A_43 : memref<10240x64xf32, #tpu.memory_space<vmem_shared>>) dst(%arg8 : memref<80x64xf32, #tpu.memory_space<vmem>>)
        %add3A_44 = arith.constant 1 : i32
        %add3A_45 = arith.addi %scan3A_30, %add3A_44 : i32
        %lt3A = arith.constant 125 : i32
        %lt3A_46 = arith.cmpi slt, %add3A_45, %lt3A : i32
        %convert_element_type3A_47 = arith.extui %lt3A_46 : i1 to i32
        %cond3A_48 = arith.constant 0 : i32
        %cond3A_49 = arith.cmpi ne, %convert_element_type3A_47, %cond3A_48 : i32
        scf.if %cond3A_49 {
          %add3A_50 = arith.constant 1 : i32
          %add3A_51 = arith.addi %scan3A_30, %add3A_50 : i32
          %dma_start3A_52 = arith.constant 0 : i32
          %dma_start3A_53 = tpu.memref_slice %arg6[%add3A_51, %dma_start3A_52] : memref<125x80xi32, #tpu.memory_space<vmem>> -> memref<1x80xi32, #tpu.memory_space<vmem>>
          %dma_start3A_54 = tpu.memref_squeeze %dma_start3A_53 : memref<1x80xi32, #tpu.memory_space<vmem>> -> memref<80xi32, #tpu.memory_space<vmem>>
          %dma_start3A_55 = arith.constant 0 : i32
          %dma_start3A_56 = arith.constant 0 : i32
          %dma_start3A_57 = tpu.memref_slice %arg10[%dma_start3A_55, %dma_start3A_56] : memref<10240x64xf32, #tpu.memory_space<vmem_shared>> -> memref<10240x64xf32, #tpu.memory_space<vmem_shared>>
          tpu.enqueue_indirect_dma source(%dma_start3A_57 : memref<10240x64xf32, #tpu.memory_space<vmem_shared>>) target(%arg9 : memref<80x64xf32, #tpu.memory_space<vmem>>) offsets(%dma_start3A_54 : memref<80xi32, #tpu.memory_space<vmem>>) semaphore(%arg13 : memref<!tpu.dma_semaphore, #tpu.memory_space<semaphore_mem>>)
        } else {
        }
        "tpu.region"() ({
          %run_scoped3A_50 = tpu.sem_alloc : memref<!tpu.dma_semaphore, #tpu.memory_space<semaphore_mem>>
          %dma_start3A_51 = arith.constant 0 : i32
          %dma_start3A_52 = tpu.memref_slice %arg7[%scan3A_30, %dma_start3A_51] : memref<125x80xi32, #tpu.memory_space<vmem>> -> memref<1x80xi32, #tpu.memory_space<vmem>>
          %dma_start3A_53 = tpu.memref_squeeze %dma_start3A_52 : memref<1x80xi32, #tpu.memory_space<vmem>> -> memref<80xi32, #tpu.memory_space<vmem>>
          %dma_start3A_54 = arith.constant 0 : i32
          %dma_start3A_55 = arith.constant 0 : i32
          %dma_start3A_56 = tpu.memref_slice %arg11[%dma_start3A_54, %dma_start3A_55] : memref<10240x64xf32, #tpu.memory_space<vmem_shared>> -> memref<10240x64xf32, #tpu.memory_space<vmem_shared>>
          tpu.enqueue_indirect_dma source(%arg8 : memref<80x64xf32, #tpu.memory_space<vmem>>) target(%dma_start3A_56 : memref<10240x64xf32, #tpu.memory_space<vmem_shared>>) offsets(%dma_start3A_53 : memref<80xi32, #tpu.memory_space<vmem>>) semaphore(%run_scoped3A_50 : memref<!tpu.dma_semaphore, #tpu.memory_space<semaphore_mem>>) {add = true}
          %dma_wait3A_57 = arith.constant 0 : i32
          %dma_wait3A_58 = tpu.memref_slice %arg7[%scan3A_30, %dma_wait3A_57] : memref<125x80xi32, #tpu.memory_space<vmem>> -> memref<1x80xi32, #tpu.memory_space<vmem>>
          %dma_wait3A_59 = tpu.memref_squeeze %dma_wait3A_58 : memref<1x80xi32, #tpu.memory_space<vmem>> -> memref<80xi32, #tpu.memory_space<vmem>>
          %dma_wait3A_60 = arith.constant 0 : i32
          %dma_wait3A_61 = arith.constant 0 : i32
          %dma_wait3A_62 = tpu.memref_slice %arg11[%dma_wait3A_60, %dma_wait3A_61] : memref<10240x64xf32, #tpu.memory_space<vmem_shared>> -> memref<10240x64xf32, #tpu.memory_space<vmem_shared>>
          tpu.wait_indirect_dma semaphore(%run_scoped3A_50 : memref<!tpu.dma_semaphore, #tpu.memory_space<semaphore_mem>>) src(%arg8 : memref<80x64xf32, #tpu.memory_space<vmem>>) dst(%dma_wait3A_62 : memref<10240x64xf32, #tpu.memory_space<vmem_shared>>)
          tpu.yield
        }) : () -> ()
      } else {
      }
      %not3A = arith.constant true
      %not3A_34 = arith.xori %eq3A_32, %not3A : i1
      %convert_element_type3A_35 = arith.extui %not3A_34 : i1 to i32
      %cond3A_36 = arith.constant 0 : i32
      %cond3A_37 = arith.cmpi ne, %convert_element_type3A_35, %cond3A_36 : i32
      scf.if %cond3A_37 {
        %dma_wait3A = arith.constant 0 : i32
        %dma_wait3A_38 = arith.constant 0 : i32
        %dma_wait3A_39 = tpu.memref_slice %arg6[%dma_wait3A, %dma_wait3A_38] : memref<125x80xi32, #tpu.memory_space<vmem>> -> memref<1x80xi32, #tpu.memory_space<vmem>>
        %dma_wait3A_40 = tpu.memref_squeeze %dma_wait3A_39 : memref<1x80xi32, #tpu.memory_space<vmem>> -> memref<80xi32, #tpu.memory_space<vmem>>
        %dma_wait3A_41 = arith.constant 0 : i32
        %dma_wait3A_42 = arith.constant 0 : i32
        %dma_wait3A_43 = tpu.memref_slice %arg10[%dma_wait3A_41, %dma_wait3A_42] : memref<10240x64xf32, #tpu.memory_space<vmem_shared>> -> memref<10240x64xf32, #tpu.memory_space<vmem_shared>>
        tpu.wait_indirect_dma semaphore(%arg13 : memref<!tpu.dma_semaphore, #tpu.memory_space<semaphore_mem>>) src(%dma_wait3A_43 : memref<10240x64xf32, #tpu.memory_space<vmem_shared>>) dst(%arg9 : memref<80x64xf32, #tpu.memory_space<vmem>>)
        %add3A_44 = arith.constant 1 : i32
        %add3A_45 = arith.addi %scan3A_30, %add3A_44 : i32
        %lt3A = arith.constant 125 : i32
        %lt3A_46 = arith.cmpi slt, %add3A_45, %lt3A : i32
        %convert_element_type3A_47 = arith.extui %lt3A_46 : i1 to i32
        %cond3A_48 = arith.constant 0 : i32
        %cond3A_49 = arith.cmpi ne, %convert_element_type3A_47, %cond3A_48 : i32
        scf.if %cond3A_49 {
          %add3A_50 = arith.constant 1 : i32
          %add3A_51 = arith.addi %scan3A_30, %add3A_50 : i32
          %dma_start3A_52 = arith.constant 0 : i32
          %dma_start3A_53 = tpu.memref_slice %arg6[%add3A_51, %dma_start3A_52] : memref<125x80xi32, #tpu.memory_space<vmem>> -> memref<1x80xi32, #tpu.memory_space<vmem>>
          %dma_start3A_54 = tpu.memref_squeeze %dma_start3A_53 : memref<1x80xi32, #tpu.memory_space<vmem>> -> memref<80xi32, #tpu.memory_space<vmem>>
          %dma_start3A_55 = arith.constant 0 : i32
          %dma_start3A_56 = arith.constant 0 : i32
          %dma_start3A_57 = tpu.memref_slice %arg10[%dma_start3A_55, %dma_start3A_56] : memref<10240x64xf32, #tpu.memory_space<vmem_shared>> -> memref<10240x64xf32, #tpu.memory_space<vmem_shared>>
          tpu.enqueue_indirect_dma source(%dma_start3A_57 : memref<10240x64xf32, #tpu.memory_space<vmem_shared>>) target(%arg8 : memref<80x64xf32, #tpu.memory_space<vmem>>) offsets(%dma_start3A_54 : memref<80xi32, #tpu.memory_space<vmem>>) semaphore(%arg12 : memref<!tpu.dma_semaphore, #tpu.memory_space<semaphore_mem>>)
        } else {
        }
        "tpu.region"() ({
          %run_scoped3A_50 = tpu.sem_alloc : memref<!tpu.dma_semaphore, #tpu.memory_space<semaphore_mem>>
          %dma_start3A_51 = arith.constant 0 : i32
          %dma_start3A_52 = tpu.memref_slice %arg7[%scan3A_30, %dma_start3A_51] : memref<125x80xi32, #tpu.memory_space<vmem>> -> memref<1x80xi32, #tpu.memory_space<vmem>>
          %dma_start3A_53 = tpu.memref_squeeze %dma_start3A_52 : memref<1x80xi32, #tpu.memory_space<vmem>> -> memref<80xi32, #tpu.memory_space<vmem>>
          %dma_start3A_54 = arith.constant 0 : i32
          %dma_start3A_55 = arith.constant 0 : i32
          %dma_start3A_56 = tpu.memref_slice %arg11[%dma_start3A_54, %dma_start3A_55] : memref<10240x64xf32, #tpu.memory_space<vmem_shared>> -> memref<10240x64xf32, #tpu.memory_space<vmem_shared>>
          tpu.enqueue_indirect_dma source(%arg9 : memref<80x64xf32, #tpu.memory_space<vmem>>) target(%dma_start3A_56 : memref<10240x64xf32, #tpu.memory_space<vmem_shared>>) offsets(%dma_start3A_53 : memref<80xi32, #tpu.memory_space<vmem>>) semaphore(%run_scoped3A_50 : memref<!tpu.dma_semaphore, #tpu.memory_space<semaphore_mem>>) {add = true}
          %dma_wait3A_57 = arith.constant 0 : i32
          %dma_wait3A_58 = tpu.memref_slice %arg7[%scan3A_30, %dma_wait3A_57] : memref<125x80xi32, #tpu.memory_space<vmem>> -> memref<1x80xi32, #tpu.memory_space<vmem>>
          %dma_wait3A_59 = tpu.memref_squeeze %dma_wait3A_58 : memref<1x80xi32, #tpu.memory_space<vmem>> -> memref<80xi32, #tpu.memory_space<vmem>>
          %dma_wait3A_60 = arith.constant 0 : i32
          %dma_wait3A_61 = arith.constant 0 : i32
          %dma_wait3A_62 = tpu.memref_slice %arg11[%dma_wait3A_60, %dma_wait3A_61] : memref<10240x64xf32, #tpu.memory_space<vmem_shared>> -> memref<10240x64xf32, #tpu.memory_space<vmem_shared>>
          tpu.wait_indirect_dma semaphore(%run_scoped3A_50 : memref<!tpu.dma_semaphore, #tpu.memory_space<semaphore_mem>>) src(%arg9 : memref<80x64xf32, #tpu.memory_space<vmem>>) dst(%dma_wait3A_62 : memref<10240x64xf32, #tpu.memory_space<vmem_shared>>)
          tpu.yield
        }) : () -> ()
      } else {
      }
    }
    %scan3A_24 = arith.constant 125 : i32
    %barrier3A_25 = arith.constant 0 : index
    tpu.barrier barrier_id(%barrier3A_25)
    %mul3A_26 = arith.constant 640 : i32
    %mul3A_27 = arith.muli %arg1, %mul3A_26 : i32
    %mul3A_28 = arith.constant 640 : i32
    %mul3A_29 = arith.muli %arg1, %mul3A_28 : i32
    "tpu.region"() ({
      %run_scoped3A_30 = tpu.sem_alloc : memref<!tpu.dma_semaphore, #tpu.memory_space<semaphore_mem>>
      %dma_start3A_31 = arith.constant 0 : i32
      %dma_start3A_32 = arith.constant 0 : i32
      %dma_start3A_33 = tpu.memref_slice %arg5[%arg0, %dma_start3A_31, %dma_start3A_32] : memref<2x10240x64xf32, #tpu.memory_space<hbm>> -> memref<1x10240x64xf32, #tpu.memory_space<hbm>>
      %dma_start3A_34 = tpu.memref_squeeze %dma_start3A_33 : memref<1x10240x64xf32, #tpu.memory_space<hbm>> -> memref<10240x64xf32, #tpu.memory_space<hbm>>
      %dma_start3A_35 = arith.constant 0 : i32
      %dma_start3A_36 = tpu.memref_slice %dma_start3A_34[%mul3A_29, %dma_start3A_35] : memref<10240x64xf32, #tpu.memory_space<hbm>> -> memref<640x64xf32, #tpu.memory_space<hbm>>
      %dma_start3A_37 = arith.constant 0 : i32
      %dma_start3A_38 = tpu.memref_slice %arg11[%mul3A_27, %dma_start3A_37] : memref<10240x64xf32, #tpu.memory_space<vmem_shared>> -> memref<640x64xf32, #tpu.memory_space<vmem_shared>>
      tpu.enqueue_dma source(%dma_start3A_38 : memref<640x64xf32, #tpu.memory_space<vmem_shared>>) target(%dma_start3A_36 : memref<640x64xf32, #tpu.memory_space<hbm>>) target_semaphore(%run_scoped3A_30 : memref<!tpu.dma_semaphore, #tpu.memory_space<semaphore_mem>>)
      %dma_wait3A = arith.constant 0 : i32
      %dma_wait3A_39 = arith.constant 0 : i32
      %dma_wait3A_40 = tpu.memref_slice %arg5[%arg0, %dma_wait3A, %dma_wait3A_39] : memref<2x10240x64xf32, #tpu.memory_space<hbm>> -> memref<1x10240x64xf32, #tpu.memory_space<hbm>>
      %dma_wait3A_41 = tpu.memref_squeeze %dma_wait3A_40 : memref<1x10240x64xf32, #tpu.memory_space<hbm>> -> memref<10240x64xf32, #tpu.memory_space<hbm>>
      %dma_wait3A_42 = arith.constant 0 : i32
      %dma_wait3A_43 = tpu.memref_slice %dma_wait3A_41[%mul3A_29, %dma_wait3A_42] : memref<10240x64xf32, #tpu.memory_space<hbm>> -> memref<640x64xf32, #tpu.memory_space<hbm>>
      %dma_wait3A_44 = arith.constant 0 : i32
      %dma_wait3A_45 = tpu.memref_slice %arg11[%mul3A_27, %dma_wait3A_44] : memref<10240x64xf32, #tpu.memory_space<vmem_shared>> -> memref<640x64xf32, #tpu.memory_space<vmem_shared>>
      tpu.wait_dma2 semaphore(%run_scoped3A_30 : memref<!tpu.dma_semaphore, #tpu.memory_space<semaphore_mem>>) src(%dma_wait3A_45 : memref<640x64xf32, #tpu.memory_space<vmem_shared>>) dst(%dma_wait3A_43 : memref<640x64xf32, #tpu.memory_space<hbm>>)
      tpu.yield
    }) : () -> ()
    return
  }
}

module attributes {stable_mosaic.version = 14 : i64} {
  func.func @_prep_body(%arg0: memref<10000x128xf32, #tpu.memory_space<vmem>>, %arg1: memref<10240x16xf32, #tpu.memory_space<vmem>>, %arg2: memref<10240x16xf32, #tpu.memory_space<vmem>>, %arg3: memref<128x64xf32, #tpu.memory_space<vmem>>, %arg4: memref<10000x1xf32, #tpu.memory_space<vmem>>, %arg5: memref<10240x64xf32, #tpu.memory_space<vmem>>) attributes {dimension_semantics = [], scalar_prefetch = 0 : i64, scratch_operands = 0 : i64, tpu.core_type = #tpu.core_type<tc>} {
    %get3A = arith.constant 0 : index
    %get3A_0 = arith.constant 0 : index
    %get3A_1 = vector.load %arg1[%get3A, %get3A_0] : memref<10240x16xf32, #tpu.memory_space<vmem>>, vector<10000x1xf32>
    %get3A_2 = arith.constant 0 : index
    %get3A_3 = arith.constant 0 : index
    %get3A_4 = vector.load %arg2[%get3A_2, %get3A_3] : memref<10240x16xf32, #tpu.memory_space<vmem>>, vector<10000x1xf32>
    %add3A = arith.addf %get3A_1, %get3A_4 : vector<10000x1xf32>
    %add3A_5 = arith.constant 1.000000e+00 : f32
    %add3A_6 = vector.broadcast %add3A_5 : f32 to vector<10000x1xf32>
    %add3A_7 = arith.addf %add3A, %add3A_6 : vector<10000x1xf32>
    %rsqrt3A = math.rsqrt %add3A_7 : vector<10000x1xf32>
    %swap3A = arith.constant 0 : index
    %swap3A_8 = arith.constant 0 : index
    %swap3A_9 = vector.load %arg4[%swap3A, %swap3A_8] : memref<10000x1xf32, #tpu.memory_space<vmem>>, vector<10000x1xf32>
    tpu.vector_store %arg4[%swap3A, %swap3A_8], %rsqrt3A {strides = array<i32>} : memref<10000x1xf32, #tpu.memory_space<vmem>>, vector<10000x1xf32>,
    %get3A_10 = arith.constant 0 : index
    %get3A_11 = arith.constant 0 : index
    %get3A_12 = vector.load %arg0[%get3A_10, %get3A_11] : memref<10000x128xf32, #tpu.memory_space<vmem>>, vector<10000x128xf32>
    %get3A_13 = arith.constant 0 : index
    %get3A_14 = arith.constant 0 : index
    %get3A_15 = vector.load %arg3[%get3A_13, %get3A_14] : memref<128x64xf32, #tpu.memory_space<vmem>>, vector<128x64xf32>
    %dot_general3A = arith.constant dense<0.000000e+00> : vector<10000x64xf32>
    %dot_general3A_16 = tpu.matmul %get3A_12, %get3A_15, %dot_general3A {dimension_numbers = #tpu.dot_dimension_numbers<[1], [0], [0], [1], [0, 0, 1, 1], [], []>, transpose_lhs_hint = false} : vector<10000x128xf32>, vector<128x64xf32>, vector<10000x64xf32> -> vector<10000x64xf32>
    %mul3A = vector.broadcast %rsqrt3A : vector<10000x1xf32> to vector<10000x64xf32>
    %mul3A_17 = arith.mulf %mul3A, %dot_general3A_16 : vector<10000x64xf32>
    %swap3A_18 = arith.constant 0 : index
    %swap3A_19 = arith.constant 0 : index
    %swap3A_20 = vector.load %arg5[%swap3A_18, %swap3A_19] : memref<10240x64xf32, #tpu.memory_space<vmem>>, vector<10000x64xf32>
    tpu.vector_store %arg5[%swap3A_18, %swap3A_19], %mul3A_17 {strides = array<i32>} : memref<10240x64xf32, #tpu.memory_space<vmem>>, vector<10000x64xf32>,
    return
  }
}

module attributes {stable_mosaic.version = 14 : i64} {
  func.func @_update_body(%arg0: memref<2x10240x64xf32, #tpu.memory_space<vmem>>, %arg1: memref<10240x64xf32, #tpu.memory_space<vmem>>, %arg2: memref<10000x1xf32, #tpu.memory_space<vmem>>, %arg3: memref<1x64xf32, #tpu.memory_space<vmem>>, %arg4: memref<64x64xf32, #tpu.memory_space<vmem>>, %arg5: memref<10240x64xf32, #tpu.memory_space<vmem>>) attributes {dimension_semantics = [], scalar_prefetch = 0 : i64, scratch_operands = 0 : i64, tpu.core_type = #tpu.core_type<tc>} {
    %get3A = arith.constant 0 : index
    %get3A_0 = arith.constant 0 : index
    %get3A_1 = vector.load %arg2[%get3A, %get3A_0] : memref<10000x1xf32, #tpu.memory_space<vmem>>, vector<10000x1xf32>
    %get3A_2 = arith.constant 0 : index
    %get3A_3 = arith.constant 0 : index
    %get3A_4 = arith.constant 0 : index
    %get3A_5 = vector.load %arg0[%get3A_2, %get3A_3, %get3A_4] : memref<2x10240x64xf32, #tpu.memory_space<vmem>>, vector<1x10000x64xf32>
    %get3A_6 = vector.shape_cast %get3A_5 : vector<1x10000x64xf32> to vector<10000x64xf32>
    %get3A_7 = arith.constant 1 : index
    %get3A_8 = arith.constant 0 : index
    %get3A_9 = arith.constant 0 : index
    %get3A_10 = vector.load %arg0[%get3A_7, %get3A_8, %get3A_9] : memref<2x10240x64xf32, #tpu.memory_space<vmem>>, vector<1x10000x64xf32>
    %get3A_11 = vector.shape_cast %get3A_10 : vector<1x10000x64xf32> to vector<10000x64xf32>
    %add3A = arith.addf %get3A_6, %get3A_11 : vector<10000x64xf32>
    %get3A_12 = arith.constant 0 : index
    %get3A_13 = arith.constant 0 : index
    %get3A_14 = vector.load %arg1[%get3A_12, %get3A_13] : memref<10240x64xf32, #tpu.memory_space<vmem>>, vector<10000x64xf32>
    %add3A_15 = arith.addf %add3A, %get3A_14 : vector<10000x64xf32>
    %mul3A = vector.broadcast %get3A_1 : vector<10000x1xf32> to vector<10000x64xf32>
    %mul3A_16 = arith.mulf %mul3A, %add3A_15 : vector<10000x64xf32>
    %get3A_17 = arith.constant 0 : index
    %get3A_18 = arith.constant 0 : index
    %get3A_19 = vector.load %arg3[%get3A_17, %get3A_18] : memref<1x64xf32, #tpu.memory_space<vmem>>, vector<1x64xf32>
    %add3A_20 = vector.broadcast %get3A_19 : vector<1x64xf32> to vector<10000x64xf32>
    %add3A_21 = arith.addf %mul3A_16, %add3A_20 : vector<10000x64xf32>
    %tanh3A = math.tanh %add3A_21 : vector<10000x64xf32>
    %get3A_22 = arith.constant 0 : index
    %get3A_23 = arith.constant 0 : index
    %get3A_24 = vector.load %arg4[%get3A_22, %get3A_23] : memref<64x64xf32, #tpu.memory_space<vmem>>, vector<64x64xf32>
    %dot_general3A = arith.constant dense<0.000000e+00> : vector<10000x64xf32>
    %dot_general3A_25 = tpu.matmul %tanh3A, %get3A_24, %dot_general3A {dimension_numbers = #tpu.dot_dimension_numbers<[1], [0], [0], [1], [0, 0, 1, 1], [], []>, transpose_lhs_hint = false} : vector<10000x64xf32>, vector<64x64xf32>, vector<10000x64xf32> -> vector<10000x64xf32>
    %mul3A_26 = vector.broadcast %get3A_1 : vector<10000x1xf32> to vector<10000x64xf32>
    %mul3A_27 = arith.mulf %mul3A_26, %dot_general3A_25 : vector<10000x64xf32>
    %swap3A = arith.constant 0 : index
    %swap3A_28 = arith.constant 0 : index
    %swap3A_29 = vector.load %arg5[%swap3A, %swap3A_28] : memref<10240x64xf32, #tpu.memory_space<vmem>>, vector<10000x64xf32>
    tpu.vector_store %arg5[%swap3A, %swap3A_28], %mul3A_27 {strides = array<i32>} : memref<10240x64xf32, #tpu.memory_space<vmem>>, vector<10000x64xf32>,
    return
  }
}

module attributes {stable_mosaic.version = 14 : i64} {
  func.func @_final_body(%arg0: memref<2x10240x64xf32, #tpu.memory_space<vmem>>, %arg1: memref<10240x64xf32, #tpu.memory_space<vmem>>, %arg2: memref<10000x1xf32, #tpu.memory_space<vmem>>, %arg3: memref<1x64xf32, #tpu.memory_space<vmem>>, %arg4: memref<11264x1xi32, #tpu.memory_space<vmem>>, %arg5: memref<1x10000xi32, #tpu.memory_space<vmem>>, %arg6: memref<65xi32, #tpu.memory_space<smem>>, %arg7: memref<128x1xf32, #tpu.memory_space<vmem>>, %arg8: memref<1x1xf32, #tpu.memory_space<vmem>>, %arg9: memref<64x1xf32, #tpu.memory_space<vmem>>, %arg10: memref<11264x64xf32, #tpu.memory_space<vmem>>, %arg11: memref<64x64xf32, #tpu.memory_space<vmem>>) attributes {dimension_semantics = [], scalar_prefetch = 0 : i64, scratch_operands = 2 : i64, tpu.core_type = #tpu.core_type<tc>} {
    %get3A = arith.constant 0 : index
    %get3A_0 = arith.constant 0 : index
    %get3A_1 = vector.load %arg2[%get3A, %get3A_0] : memref<10000x1xf32, #tpu.memory_space<vmem>>, vector<10000x1xf32>
    %get3A_2 = arith.constant 0 : index
    %get3A_3 = arith.constant 0 : index
    %get3A_4 = arith.constant 0 : index
    %get3A_5 = vector.load %arg0[%get3A_2, %get3A_3, %get3A_4] : memref<2x10240x64xf32, #tpu.memory_space<vmem>>, vector<1x10000x64xf32>
    %get3A_6 = vector.shape_cast %get3A_5 : vector<1x10000x64xf32> to vector<10000x64xf32>
    %get3A_7 = arith.constant 1 : index
    %get3A_8 = arith.constant 0 : index
    %get3A_9 = arith.constant 0 : index
    %get3A_10 = vector.load %arg0[%get3A_7, %get3A_8, %get3A_9] : memref<2x10240x64xf32, #tpu.memory_space<vmem>>, vector<1x10000x64xf32>
    %get3A_11 = vector.shape_cast %get3A_10 : vector<1x10000x64xf32> to vector<10000x64xf32>
    %add3A = arith.addf %get3A_6, %get3A_11 : vector<10000x64xf32>
    %get3A_12 = arith.constant 0 : index
    %get3A_13 = arith.constant 0 : index
    %get3A_14 = vector.load %arg1[%get3A_12, %get3A_13] : memref<10240x64xf32, #tpu.memory_space<vmem>>, vector<10000x64xf32>
    %add3A_15 = arith.addf %add3A, %get3A_14 : vector<10000x64xf32>
    %mul3A = vector.broadcast %get3A_1 : vector<10000x1xf32> to vector<10000x64xf32>
    %mul3A_16 = arith.mulf %mul3A, %add3A_15 : vector<10000x64xf32>
    %get3A_17 = arith.constant 0 : index
    %get3A_18 = arith.constant 0 : index
    %get3A_19 = vector.load %arg3[%get3A_17, %get3A_18] : memref<1x64xf32, #tpu.memory_space<vmem>>, vector<1x64xf32>
    %add3A_20 = vector.broadcast %get3A_19 : vector<1x64xf32> to vector<10000x64xf32>
    %add3A_21 = arith.addf %mul3A_16, %add3A_20 : vector<10000x64xf32>
    %tanh3A = math.tanh %add3A_21 : vector<10000x64xf32>
    %swap3A = arith.constant 0 : index
    %swap3A_22 = arith.constant 0 : index
    %swap3A_23 = vector.load %arg10[%swap3A, %swap3A_22] : memref<11264x64xf32, #tpu.memory_space<vmem>>, vector<10000x64xf32>
    tpu.vector_store %arg10[%swap3A, %swap3A_22], %tanh3A {strides = array<i32>} : memref<11264x64xf32, #tpu.memory_space<vmem>>, vector<10000x64xf32>,
    %get3A_24 = arith.constant 0 : index
    %get3A_25 = arith.constant 0 : index
    %get3A_26 = vector.load %arg5[%get3A_24, %get3A_25] : memref<1x10000xi32, #tpu.memory_space<vmem>>, vector<1x10000xi32>
    %iota3A = tpu.iota {dimensions = array<i32: 0>} : vector<64x10000xi32>
    %eq3A = vector.broadcast %get3A_26 : vector<1x10000xi32> to vector<64x10000xi32>
    %eq3A_27 = arith.cmpi eq, %eq3A, %iota3A : vector<64x10000xi32>
    %convert_element_type3A = arith.extui %eq3A_27 : vector<64x10000xi1> to vector<64x10000xi32>
    %convert_element_type3A_28 = arith.sitofp %convert_element_type3A : vector<64x10000xi32> to vector<64x10000xf32>
    %get3A_29 = arith.constant 0 : index
    %get3A_30 = arith.constant 0 : index
    %get3A_31 = vector.load %arg10[%get3A_29, %get3A_30] : memref<11264x64xf32, #tpu.memory_space<vmem>>, vector<10000x64xf32>
    %dot_general3A = arith.constant dense<0.000000e+00> : vector<64x64xf32>
    %dot_general3A_32 = tpu.matmul %convert_element_type3A_28, %get3A_31, %dot_general3A {dimension_numbers = #tpu.dot_dimension_numbers<[1], [0], [0], [1], [0, 0, 1, 1], [], []>, transpose_lhs_hint = false} : vector<64x10000xf32>, vector<10000x64xf32>, vector<64x64xf32> -> vector<64x64xf32>
    %broadcast_in_dim3A = arith.constant 1.000000e+00 : f32
    %broadcast_in_dim3A_33 = vector.broadcast %broadcast_in_dim3A : f32 to vector<10000x1xf32>
    %dot_general3A_34 = arith.constant dense<0.000000e+00> : vector<64x1xf32>
    %dot_general3A_35 = tpu.matmul %convert_element_type3A_28, %broadcast_in_dim3A_33, %dot_general3A_34 {dimension_numbers = #tpu.dot_dimension_numbers<[1], [0], [0], [1], [0, 0, 1, 1], [], []>, transpose_lhs_hint = false} : vector<64x10000xf32>, vector<10000x1xf32>, vector<64x1xf32> -> vector<64x1xf32>
    %scan3A = arith.constant 0 : i32
    %scan3A_36 = arith.constant 64 : i32
    %scan3A_37 = arith.addi %scan3A, %scan3A_36 : i32
    %scan3A_38 = arith.constant 1 : i32
    scf.for %scan3A_59 = %scan3A to %scan3A_37 step %scan3A_38  : i32 {
      %get3A_60 = arith.index_cast %scan3A_59 : i32 to index
      %get3A_61 = memref.load %arg6[%get3A_60] : memref<65xi32, #tpu.memory_space<smem>>
      %add3A_62 = arith.constant 1 : i32
      %add3A_63 = arith.addi %scan3A_59, %add3A_62 : i32
      %get3A_64 = arith.index_cast %add3A_63 : i32 to index
      %get3A_65 = memref.load %arg6[%get3A_64] : memref<65xi32, #tpu.memory_space<smem>>
      %div3A_66 = arith.constant 8 : i32
      %div3A_67 = arith.divsi %get3A_61, %div3A_66 : i32
      %mul3A_68 = arith.constant 8 : i32
      %mul3A_69 = arith.muli %mul3A_68, %div3A_67 : i32
      %sub3A = arith.subi %get3A_65, %mul3A_69 : i32
      %add3A_70 = arith.constant 1023 : i32
      %add3A_71 = arith.addi %sub3A, %add3A_70 : i32
      %div3A_72 = arith.constant 1024 : i32
      %div3A_73 = arith.divsi %add3A_71, %div3A_72 : i32
      %broadcast_in_dim3A_74 = arith.constant -1.000000e+30 : f32
      %broadcast_in_dim3A_75 = vector.broadcast %broadcast_in_dim3A_74 : f32 to vector<1x64xf32>
      %while3A = arith.constant 0 : i32
      %while3A_76 = arith.subi %div3A_73, %while3A : i32
      %while3A_77 = arith.addi %while3A, %while3A_76 : i32
      %while3A_78 = arith.constant 1 : i32
      %while3A_79 = arith.divsi %while3A_76, %while3A_78 : i32
      %while3A_80 = arith.muli %while3A_79, %while3A_78 : i32
      %while3A_81 = arith.addi %while3A, %while3A_80 : i32
      %while3A_82 = arith.constant 1 : i32
      %while3A_83 = scf.for %while3A_89 = %while3A to %while3A_81 step %while3A_82 iter_args(%while3A_90 = %broadcast_in_dim3A_75) -> (vector<1x64xf32>)  : i32 {
        %mul3A_91 = arith.constant 1024 : i32
        %mul3A_92 = arith.muli %while3A_89, %mul3A_91 : i32
        %add3A_93 = arith.addi %mul3A_69, %mul3A_92 : i32
        %multiple_of3A = tpu.assume_multiple %add3A_93, 8 : i32
        %get3A_94 = arith.index_cast %multiple_of3A : i32 to index
        %get3A_95 = arith.constant 0 : index
        %get3A_96 = vector.load %arg10[%get3A_94, %get3A_95] : memref<11264x64xf32, #tpu.memory_space<vmem>>, vector<1024x64xf32>
        %get3A_97 = arith.index_cast %multiple_of3A : i32 to index
        %get3A_98 = arith.constant 0 : index
        %get3A_99 = vector.load %arg4[%get3A_97, %get3A_98] : memref<11264x1xi32, #tpu.memory_space<vmem>>, vector<1024x1xi32>
        %eq3A_100 = vector.broadcast %scan3A_59 : i32 to vector<1024x1xi32>
        %eq3A_101 = arith.cmpi eq, %get3A_99, %eq3A_100 : vector<1024x1xi32>
        %jit3A = arith.constant -1.000000e+30 : f32
        %broadcast_in_dim3A_102 = vector.shape_cast %eq3A_101 : vector<1024x1xi1> to vector<1024x1xi1>
        %broadcast_in_dim3A_103 = vector.broadcast %broadcast_in_dim3A_102 : vector<1024x1xi1> to vector<1024x64xi1>
        %broadcast_in_dim3A_104 = vector.broadcast %jit3A : f32 to vector<1024x64xf32>
        %select_n3A = arith.select %broadcast_in_dim3A_103, %get3A_96, %broadcast_in_dim3A_104 : vector<1024x64xi1>, vector<1024x64xf32>
        %reduce_max3A = arith.constant dense<0xFF800000> : vector<64xf32>
        %reduce_max3A_105 = vector.multi_reduction <maximumf>, %select_n3A, %reduce_max3A [0] : vector<1024x64xf32> to vector<64xf32>
        %broadcast_in_dim3A_106 = vector.shape_cast %reduce_max3A_105 : vector<64xf32> to vector<1x64xf32>
        %max3A_107 = arith.maximumf %while3A_90, %broadcast_in_dim3A_106 : vector<1x64xf32>
        scf.yield %max3A_107 : vector<1x64xf32>
      }
      %while3A_84 = arith.constant 1 : i32
      %while3A_85 = scf.for %while3A_89 = %while3A_81 to %while3A_77 step %while3A_84 iter_args(%while3A_90 = %while3A_83) -> (vector<1x64xf32>)  : i32 {
        %mul3A_91 = arith.constant 1024 : i32
        %mul3A_92 = arith.muli %while3A_89, %mul3A_91 : i32
        %add3A_93 = arith.addi %mul3A_69, %mul3A_92 : i32
        %multiple_of3A = tpu.assume_multiple %add3A_93, 8 : i32
        %get3A_94 = arith.index_cast %multiple_of3A : i32 to index
        %get3A_95 = arith.constant 0 : index
        %get3A_96 = vector.load %arg10[%get3A_94, %get3A_95] : memref<11264x64xf32, #tpu.memory_space<vmem>>, vector<1024x64xf32>
        %get3A_97 = arith.index_cast %multiple_of3A : i32 to index
        %get3A_98 = arith.constant 0 : index
        %get3A_99 = vector.load %arg4[%get3A_97, %get3A_98] : memref<11264x1xi32, #tpu.memory_space<vmem>>, vector<1024x1xi32>
        %eq3A_100 = vector.broadcast %scan3A_59 : i32 to vector<1024x1xi32>
        %eq3A_101 = arith.cmpi eq, %get3A_99, %eq3A_100 : vector<1024x1xi32>
        %jit3A = arith.constant -1.000000e+30 : f32
        %broadcast_in_dim3A_102 = vector.shape_cast %eq3A_101 : vector<1024x1xi1> to vector<1024x1xi1>
        %broadcast_in_dim3A_103 = vector.broadcast %broadcast_in_dim3A_102 : vector<1024x1xi1> to vector<1024x64xi1>
        %broadcast_in_dim3A_104 = vector.broadcast %jit3A : f32 to vector<1024x64xf32>
        %select_n3A = arith.select %broadcast_in_dim3A_103, %get3A_96, %broadcast_in_dim3A_104 : vector<1024x64xi1>, vector<1024x64xf32>
        %reduce_max3A = arith.constant dense<0xFF800000> : vector<64xf32>
        %reduce_max3A_105 = vector.multi_reduction <maximumf>, %select_n3A, %reduce_max3A [0] : vector<1024x64xf32> to vector<64xf32>
        %broadcast_in_dim3A_106 = vector.shape_cast %reduce_max3A_105 : vector<64xf32> to vector<1x64xf32>
        %max3A_107 = arith.maximumf %while3A_90, %broadcast_in_dim3A_106 : vector<1x64xf32>
        scf.yield %max3A_107 : vector<1x64xf32>
      }
      %swap3A_86 = arith.index_cast %scan3A_59 : i32 to index
      %swap3A_87 = arith.constant 0 : index
      %swap3A_88 = vector.load %arg11[%swap3A_86, %swap3A_87] : memref<64x64xf32, #tpu.memory_space<vmem>>, vector<1x64xf32>
      tpu.vector_store %arg11[%swap3A_86, %swap3A_87], %while3A_85 {strides = array<i32>} : memref<64x64xf32, #tpu.memory_space<vmem>>, vector<1x64xf32>,
    }
    %scan3A_39 = arith.constant 64 : i32
    %max3A = arith.constant 1.000000e+00 : f32
    %max3A_40 = vector.broadcast %max3A : f32 to vector<64x1xf32>
    %max3A_41 = arith.maximumf %dot_general3A_35, %max3A_40 : vector<64x1xf32>
    %div3A = vector.broadcast %max3A_41 : vector<64x1xf32> to vector<64x64xf32>
    %div3A_42 = arith.divf %dot_general3A_32, %div3A : vector<64x64xf32>
    %get3A_43 = arith.constant 0 : index
    %get3A_44 = arith.constant 0 : index
    %get3A_45 = vector.load %arg11[%get3A_43, %get3A_44] : memref<64x64xf32, #tpu.memory_space<vmem>>, vector<64x64xf32>
    %concatenate3A = tpu.concatenate %get3A_45, %div3A_42 in 1 : vector<64x64xf32>, vector<64x64xf32> -> vector<64x128xf32>
    %get3A_46 = arith.constant 0 : index
    %get3A_47 = arith.constant 0 : index
    %get3A_48 = vector.load %arg7[%get3A_46, %get3A_47] : memref<128x1xf32, #tpu.memory_space<vmem>>, vector<128x1xf32>
    %dot_general3A_49 = arith.constant dense<0.000000e+00> : vector<64x1xf32>
    %dot_general3A_50 = tpu.matmul %concatenate3A, %get3A_48, %dot_general3A_49 {dimension_numbers = #tpu.dot_dimension_numbers<[1], [0], [0], [1], [0, 0, 1, 1], [], []>, transpose_lhs_hint = false} : vector<64x128xf32>, vector<128x1xf32>, vector<64x1xf32> -> vector<64x1xf32>
    %get3A_51 = arith.constant 0 : index
    %get3A_52 = arith.constant 0 : index
    %get3A_53 = vector.load %arg8[%get3A_51, %get3A_52] : memref<1x1xf32, #tpu.memory_space<vmem>>, vector<1x1xf32>
    %add3A_54 = vector.broadcast %get3A_53 : vector<1x1xf32> to vector<64x1xf32>
    %add3A_55 = arith.addf %dot_general3A_50, %add3A_54 : vector<64x1xf32>
    %swap3A_56 = arith.constant 0 : index
    %swap3A_57 = arith.constant 0 : index
    %swap3A_58 = vector.load %arg9[%swap3A_56, %swap3A_57] : memref<64x1xf32, #tpu.memory_space<vmem>>, vector<64x1xf32>
    tpu.vector_store %arg9[%swap3A_56, %swap3A_57], %add3A_55 {strides = array<i32>} : memref<64x1xf32, #tpu.memory_space<vmem>>, vector<64x1xf32>,
    return
  }
}

</mosaic_0001>

<sc_bundles>
// kernel: kernel.10.cloned.1.call-start
scs
__scs_entry_jumppad:
0x0: {  	(pc) =	sbr.rel $0x88, $3  }
0x1: {  	(tag) =	ssettag $0x0;
	lr =	simm.s32 $0x1  }
0x2: {  	[smem:$0x3F96] =	sst lr;
	_ =	strace $0xD0000000  }
0x3: {  	_ = 	snop  }
0x4: {  	_ = 	snop  }
0x5: {  	_ = 	snop  }
0x6: {  	_ = 	snop  }
0x7: {  	_ = 	snop  }
__scs_overlays_trampoline_lowered:
0x8: {  	[smem:$0x3FA5] =	sst s0  }
0x9: {  	[smem:$0x3FA6] =	sst s1  }
0xa: {  	[smem:$0x3FA7] =	sst s2  }
0xb: {  	[smem:$0x3FA8] =	sst s3  }
0xc: {  	[smem:$0x3FA9] =	sst s4  }
0xd: {  	[smem:$0x3FAA] =	sst s5  }
0xe: {  	[smem:$0x3FAB] =	sst s6  }
0xf: {  	[smem:$0x3FAC] =	sst s7  }
0x10: {  	[smem:$0x3FAD] =	sst s8  }
0x11: {  	[smem:$0x3FAE] =	sst s9;
	s0 =	simm.s32 @!p0 $0x0  }
0x12: {  	s1 =	sld [smem:$0x3F94];
	s0 =	simm.s32 @p0 $0x1  }
0x13: {  	[smem:$0x3FAF] =	sst s0;
	s0 =	simm.s32 @!p1 $0x0  }
0x14: {  	s2 =	sld [smem:$0x3F93];
	s0 =	simm.s32 @p1 $0x1  }
0x15: {  	[smem:$0x3FB0] =	sst s0;
	s0 =	simm.s32 @!p2 $0x0  }
0x16: {  	s3 =	sld [smem:$0x3FDB];
	s0 =	simm.s32 @p2 $0x1  }
0x17: {  	s4 =	simm.s32 $0x1BF5;
	[smem:$0x3FB2] =	sst s0  }
0x18: {  	s0 =	sld [smem:$0x3F95];
	_ =	swait.ge [sflag:s4], $0x0  }
0x19: {  	s7 =	sld [smem:$0x3F96]  }
0x1a: {  	s8 =	sadd.s32 $0xFFFFE003, lr  }
0x1b: {  	s9 =	sadd.s32 $0xFFFFFEF7, lr;
	s5 =	simm.s32 $0xFFFFFFFF;
	p2 =	slt.u32 s8, $0xFFFFF086  }
0x1c: {  	p1 =	slt.u32 s9, $0xF7A;
	s5 =	simm.s32 @!p2 $0x0  }
0x1d: {  	s5 =	simm.s32 @p1 $0x1;
	p0 =	seq.s32 s7, s2  }
0x1e: {  	s7 =	smul.u32 @!p0 $0xF7A, s2;
	p2 =	seq.s32 @!p0 s5, $0x0  }
0x1f: {  	s9 =	smul.u32 $0xF7A, s1;
	s8 =	simm.s32 @!p0 $0x1BF5;
	p2 =	por !p2, p0  }
0x20: {  	[sflag:s8] =	ssyncset.s32 @!p0 $0xFFFFF086;
	s6 =	sadd.s32 @!p0 s3, s7;
	s7 =	simm.s32 @!p0 $0x108  }
0x21: {  	s3 =	sadd.s32 s3, s9;
	s6 =	sadd.s32 @!p0 $0x88, s6;
	s7 =	simm.s32 @p2 $0x1082  }
0x22: {  	[simem:s7], [sflag:s8] =	dma.local @!p0 [hbm:s6], $0xF7A  }
0x23: {  	s9 =	sor.u32 $0xD0000000, s2;
	s6 =	simm.s32 $0x108;
	_ =	swait.ge @!p0 [sflag:s8], $0x0  }
0x24: {  	s3 =	sadd.s32 $0x88, s3;
	s6 =	simm.s32 @!p1 $0x1082;
	[sflag:s4] =	ssyncset.s32 $0xFFFFF086  }
0x25: {  	[simem:s6], [sflag:s4] =	dma.local [hbm:s3], $0xF7A  }
0x26: {  	[smem:$0x3F96] =	sst s1;
	(tag) =	ssettag s2;
	_ =	strace s9  }
0x27: {  	s1 =	sld [smem:$0x3FA6]  }
0x28: {  	s2 =	sld [smem:$0x3FA7]  }
0x29: {  	s4 =	sld [smem:$0x3FA9]  }
0x2a: {  	p0 =	seq.s32 s5, $0x0;
	s5 =	sld [smem:$0x3FAA]  }
0x2b: {  	s6 =	sld [smem:$0x3FAB]  }
0x2c: {  	s7 =	sld [smem:$0x3FAC]  }
0x2d: {  	s3 =	simm.s32 $0x108;
	s8 =	sld [smem:$0x3FAD]  }
0x2e: {  	s3 =	simm.s32 @!p0 $0x1082;
	s9 =	sld [smem:$0x3FAE]  }
0x2f: {  	lr =	sadd.s32 s0, s3;
	s0 =	sld [smem:$0x3FA5]  }
0x30: {  	s3 =	sld [smem:$0x3FA8]  }
0x31: {  	[smem:$0x3FB1] =	sst s10  }
0x32: {  	s10 =	sld [smem:$0x3FAF];
	_ =	sdelay $0x3  }
0x33: {  	p0 =	seq.s32 s10, $0x1;
	s10 =	sld [smem:$0x3FB1];
	_ =	sdelay $0x3  }
0x34: {  	[smem:$0x3FB1] =	sst s10  }
0x35: {  	s10 =	sld [smem:$0x3FB0];
	_ =	sdelay $0x3  }
0x36: {  	p1 =	seq.s32 s10, $0x1;
	s10 =	sld [smem:$0x3FB1];
	_ =	sdelay $0x3  }
0x37: {  	[smem:$0x3FB1] =	sst s10  }
0x38: {  	s10 =	sld [smem:$0x3FB2]  }
0x39: {  	_ = 	snop;
	(pc) =	sbr.ind lr, $3  }
0x3a: {  	_ = 	snop  }
0x3b: {  	_ = 	snop  }
0x3c: {  	p2 =	seq.s32 s10, $0x1;
	s10 =	sld [smem:$0x3FB1]  }
0x3d: {  	_ =	shalt  }
0x3e: {  	_ =	shalt  }
0x3f: {  	_ =	shalt  }
0x40: {  	_ =	shalt  }
0x41: {  	_ =	shalt  }
0x42: {  	_ =	shalt  }
0x43: {  	_ =	shalt  }
0x44: {  	_ =	shalt  }
0x45: {  	_ =	shalt  }
0x46: {  	_ =	shalt  }
0x47: {  	_ =	shalt  }
0x48: {  	_ =	shalt  }
0x49: {  	_ =	shalt  }
0x4a: {  	_ =	shalt  }
0x4b: {  	_ =	shalt  }
0x4c: {  	_ =	shalt  }
0x4d: {  	_ =	shalt  }
0x4e: {  	_ =	shalt  }
0x4f: {  	_ =	shalt  }
0x50: {  	_ =	shalt  }
0x51: {  	_ =	shalt  }
0x52: {  	_ =	shalt  }
0x53: {  	_ =	shalt  }
0x54: {  	_ =	shalt  }
0x55: {  	_ =	shalt  }
0x56: {  	_ =	shalt  }
0x57: {  	_ =	shalt  }
0x58: {  	_ =	shalt  }
0x59: {  	_ =	shalt  }
0x5a: {  	_ =	shalt  }
0x5b: {  	_ =	shalt  }
0x5c: {  	_ =	shalt  }
0x5d: {  	_ =	shalt  }
0x5e: {  	_ =	shalt  }
0x5f: {  	_ =	shalt  }
0x60: {  	_ =	shalt  }
0x61: {  	_ =	shalt  }
0x62: {  	_ =	shalt  }
0x63: {  	_ =	shalt  }
0x64: {  	_ =	shalt  }
0x65: {  	_ =	shalt  }
0x66: {  	_ =	shalt  }
0x67: {  	_ =	shalt  }
0x68: {  	_ =	shalt  }
0x69: {  	_ =	shalt  }
0x6a: {  	_ =	shalt  }
0x6b: {  	_ =	shalt  }
0x6c: {  	_ =	shalt  }
0x6d: {  	_ =	shalt  }
0x6e: {  	_ =	shalt  }
0x6f: {  	_ =	shalt  }
0x70: {  	_ =	shalt  }
0x71: {  	_ =	shalt  }
0x72: {  	_ =	shalt  }
0x73: {  	_ =	shalt  }
0x74: {  	_ =	shalt  }
0x75: {  	_ =	shalt  }
0x76: {  	_ =	shalt  }
0x77: {  	_ =	shalt  }
0x78: {  	_ =	shalt  }
0x79: {  	_ =	shalt  }
0x7a: {  	_ =	shalt  }
0x7b: {  	_ =	shalt  }
0x7c: {  	_ =	shalt  }
0x7d: {  	_ =	shalt  }
0x7e: {  	_ =	shalt  }
0x7f: {  	_ =	shalt  }
0x80: {  	_ =	shalt  }
0x81: {  	_ =	shalt  }
0x82: {  	_ =	shalt  }
0x83: {  	_ =	shalt  }
0x84: {  	_ =	shalt  }
0x85: {  	_ =	shalt  }
0x86: {  	_ =	shalt  }
0x87: {  	_ =	shalt  }
.Lfunc_end0:
.L_simem_size_0:
called_computation_lowered:
.L_overlay_start_0:
0x88: {  	s2 =	sld [smem:$0x3FD9]  }
0x89: {  	s3 =	sld [smem:$0x3FFE];
	_ =	sdelay $0x1  }
0x8a: {  	s1 =	srdreg.scid  }
0x8b: {  	s0 =	sand.u32 $0x1, s1  }
0x8c: {  	s16 =	sshll.u32 s0, $0xA;
	s2 =	sadd.s32 s3, s2  }
0x8d: {  	s2 =	sadd.s32 s2, s16  }
0x8e: {  	[smem:$0x3FBD] =	sst s2  }
0x8f: {  	_ = 	snop  }
0x90: {  	(tm) =	ssettm $0x1  }
0x91: {  	s17 =	sld [smem:$0x3FFB];
	_ =	sdelay $0x3  }
0x92: {  	_ =	strace s17  }
0x93: {  	s2 =	sld [smem:$0x3FFC];
	_ =	sdelay $0x3  }
0x94: {  	_ =	strace s2  }
0x95: {  	s2 =	sld [smem:$0x3FFD];
	_ =	sdelay $0x3  }
0x96: {  	_ =	strace s2  }
0x97: {  	_ =	strace $0x8FFFFFFF  }
0x98: {  	s18 =	sld [smem:$0x3FDB];
	_ =	sdelay $0x1  }
0x99: {  	s19 =	simm.s32 $_scs_section_size  }
0x9a: {  	s4 =	simm.s32 $_size__tile_overlayer_lowered;
	s5 =	simm.s32 $_tile_overlayer_lowered  }
0x9b: {  	s22 =	simm.s32 $0x1BFF;
	s21 =	sshll.u32 s5, $0x1;
	s2 =	sadd.s32 s19, s18  }
0x9c: {  	s6 =	simm.s32 $0x0;
	s20 =	sshll.u32 s4, $0x1;
	s4 =	sadd.s32 s21, s2  }
0x9d: {  	[timem:s6], [sflag:s22] =	dma.local [hbm:s4], s20  }
0x9e: {  	_ =	swait.ge [sflag:s22], s20  }
0x9f: {  	s3 =	ssub.s32 $0x0, s20;
	[sflag:s22] =	ssyncset.done $0x0  }
0xa0: {  	[sflag:s22] =	ssyncadd.s32 s3;
	_ =	sdelay $0x1  }
0xa1: {  	s23 =	simm.s32 $0x1B8B  }
0xa2: {  	_ =	swait.ge [sflag:s23], $0x1  }
0xa3: {  	[sflag:s23] =	ssyncset.done $0x0  }
0xa4: {  	s25 =	simm.s32 $0x1B8E;
	s24 =	sld [smem:$0x3FFE];
	[sflag:s23] =	ssyncadd.s32 $0xFFFFFFFF  }
0xa5: {  	s26 =	simm.s32 $execute0_lowered;
	[smem:$0x3FD2] =	sst s25  }
0xa6: {  	s4 =	sshll.u32 s26, $0x1;
	_ =	strace $0x80000046;
	[dreg:$0x1] =	wrdreg $0xFFFFFFFF  }
0xa7: {  	s28 =	simm.s32 $_size_execute0_lowered;
	s2 =	sadd.s32 s2, s4;
	[dreg:$0x0] =	wrdreg $0x0  }
0xa8: {  	s4 =	sshll.u32 s28, $0x1;
	[dreg:$0x2] =	wrdreg s2  }
0xa9: {  	[dreg:$0x3] =	wrdreg s4  }
0xaa: {  	[dreg:$0x4] =	wrdreg $0xC0  }
0xab: {  	_ =	task [dreg:s6], $0x5FFFF  }
0xac: {  	[dreg:$0x1] =	wrdreg $0xFFFFFFFF  }
0xad: {  	[dreg:$0x0] =	wrdreg $0x60  }
0xae: {  	[dreg:$0x2] =	wrdreg s24  }
0xaf: {  	[dreg:$0x3] =	wrdreg $0x2C100  }
0xb0: {  	[dreg:$0x4] =	wrdreg $0x9  }
0xb1: {  	_ =	task.clear_ibuf [dreg:s6], $0x5FFFF;
	_ =	strace $0x90000046  }
0xb2: {  	s29 =	simm.s32 $0x9;
	_ =	strace $0x80000048  }
0xb3: {  	_ =	swait.ge [sflag:s29], $0x1  }
0xb4: {  	[sflag:s29] =	ssyncadd.s32 $0xFFFFFFFF  }
0xb5: {  	_ =	strace $0x90000048  }
0xb6: {  	_ =	sfence  }
0xb7: {  	s30 =	sld [smem:$0x0];
	_ =	sdelay $0x2  }
0xb8: {  	s31 =	sshll.u32 s1, $0xD;
	s1 =	sshrl.u32 s1, $0x2  }
0xb9: {  	s3 =	sand.u32 $0x4000, s31;
	s1 =	sadd.s32 s1, s30  }
0xba: {  	s0 =	sor.u32 s3, s0;
	s1 =	sshll.u32 s1, $0x11  }
0xbb: {  	s0 =	sor.u32 s1, s0  }
0xbc: {  	s0 =	sadd.s32 $0x8F2B, s0  }
0xbd: {  	[sflag:s0] =	ssyncadd.remote.s32 $0x1  }
0xbe: {  	_ =	sfence.sel $0xFFFF  }
0xbf: {  	[dreg:$0x0] =	wrdreg $0xFFFFFFFF;
	(pc) =	sbr.abs _section_cstart, $3  }
0xc0: {  	[dreg:$0x1] =	wrdreg $0xFFFFFFFF  }
0xc1: {  	_ =	task.clear_ibuf [dreg:s6], $0x2FFFF;
	_ =	strace $0x9FFFFFFF  }
0xc2: {  	(tm) =	ssettm $0x7FFFFFFF  }
0xc3: {  	_ =	shalt  }
tec
execute0_lowered:
.L_overlay_start_1:
0x0: {  	(tag) =	ssettag $0x1  }
0x1: {  	s7 =	rddreg [dreg:$0x0]  }
0x2: {  	s2 =	rddreg [dreg:$0x1]  }
0x3: {  	s0 =	rddreg [dreg:$0x2]  }
0x4: {  	s1 =	stileid.u32;
	s3 =	simm.s32 $0x0;
	s4 =	srdreg.scid  }
0x5: {  	s5 =	smul.u32 $0x2800, s1;
	[smem:$0x7FF] =	sst s3;
	s6 =	sand.u32 $0x1, s4  }
0x6: {  	s4 =	sadd.s32 $0x1BA00, s7;
	s31 =	sshll.u32 s1, $0x6;
	s13 =	sadd.s32 $0xCC40, s7  }
0x7: {  	_ =	strace $0x80000047;
	s8 =	smul.u32 $0x5000, s6;
	s10 =	ssub.s32 $0x2, s6  }
0x8: {  	s6 =	sshll.u32 s6, $0x4;
	s14 =	sshrl.u32 s5, $0x3;
	s11 =	sshrl.u32 s10, $0x1  }
0x9: {  	s30 =	sor.u32 s1, s6;
	s12 =	sadd.s32 s5, s2;
	s6 =	sor.u32 $0x1C02, s31  }
0xa: {  	s9 =	sadd.s32 s14, s7;
	s8 =	sadd.s32 s8, s7;
	s10 =	ssub.s32 s10, s11  }
0xb: {  	s11 =	smul.u32 $0x4E2, s30;
	s5 =	sadd.s32 $0x16A00, s9;
	s15 =	sadd.s32 $0x1BC00, s8  }
0xc: {  	s7 =	smax.u32 s10, $0x1;
	s8 =	sshrl.u32 s12, $0x3;
	s9 =	simm.s32 $0x2  }
0xd: {  	s12 =	simm.s32 $0x50;
	s10 =	sadd.s32 s11, s13;
	s11 =	simm.s32 $0x2710  }
0xe: {  	s13 =	simm.s32 $0x1;
	s14 =	sadd.s32 s14, s15;
	s15 =	simm.s32 $0x0  }
.LBB2_1:
0xf: {  	[spmem:s8], [sflag:s6] =	dma.local [hbm:s5], $0x500  }
0x10: {  	_ =	swait.ge [sflag:s9], $0x500  }
0x11: {  	[sflag:s9] =	ssyncset.done $0x0  }
0x12: {  	[sflag:s9] =	ssyncadd.s32 $0xFFFFFB00  }
0x13: {  	[tilespmem:s3], [sflag:$0x2] =	stream.linear.gather [hbm4b:s10+s3], $0x2710, $0x38;
	[tilespmem:$0x5410] =	vst v63  }
0x14: {  	_ =	swait.ge [sflag:s9], $0x2710  }
0x15: {  	[sflag:s9] =	ssyncset.done $0x0  }
0x16: {  	[sflag:s9] =	ssyncadd.s32 $0xFFFFD8F0  }
0x17: {  	[tilespmem:s11], [sflag:$0x2] =	stream.linear.gather [hbm4b:s4+s3], $0x500, $0x38;
	[tilespmem:$0x5410] =	vst v63  }
0x18: {  	_ =	swait.ge [sflag:s9], $0x500  }
0x19: {  	[sflag:s9] =	ssyncset.done $0x0  }
0x1a: {  	[sflag:s9] =	ssyncadd.s32 $0xFFFFFB00  }
0x1b: {  	s16 =	simm.s32 $0x0;
	[bflag:$0x0] =	sbarrier.arrive $0xFFFF  }
.LBB2_2:
0x1c: {  	p0 =	sne.s32 s16, $0x9B00  }
.Ltmp0:
0x1d: {  	_ = 	snop;
	(pc) =	sbr.rel @p0 .LBB2_2-.Ltmp0, $3  }
0x1e: {  	_ =	sdelay $0x1  }
0x1f: {  	s17 =	sshra.s32 s16, $0x2;
	s16 =	sadd.s32 $0x140, s16  }
0x20: {  	[spmem:s2] =	stream.indirect.scatter.add.f32 [tilespmem:s11], [sflag:$0x1], $0x10, s17, s12, $0xb8;
	[tilespmem:$0x5410] =	vst v63  }
0x21: {  	_ =	swait.ge [sflag:s13], $0x500  }
0x22: {  	s16 =	simm.s32 $0x7C;
	[sflag:s13] =	ssyncset.done $0x0  }
.LBB2_4:
0x23: {  	p0 =	sne.s32 s16, $0x1;
	s16 =	sadd.s32 $0xFFFFFFFF, s16;
	[sflag:s13] =	ssyncadd.s32 $0xFFFFFB00  }
.Ltmp1:
0x24: {  	(pc) =	sbr.rel @p0 .LBB2_4-.Ltmp1, $3  }
0x25: {  	_ =	sdelay $0x1  }
0x26: {  	_ =	swait.ge [sflag:s13], $0x500  }
0x27: {  	[sflag:s13] =	ssyncset.done $0x0  }
0x28: {  	s15 =	sadd.s32 $0x1, s15  }
0x29: {  	[sflag:s13] =	ssyncadd.s32 $0xFFFFFB00;
	p0 =	sne.s32 s15, s7  }
.Ltmp2:
0x2a: {  	[bflag:$0x0] =	sbarrier.arrive $0xFFFF;
	(pc) =	sbr.rel @p0 .LBB2_1-.Ltmp2, $4  }
0x2b: {  	[hbm:s14], [sflag:s6] =	dma.local [spmem:s8], $0x500  }
0x2c: {  	_ =	swait.ge [sflag:s9], $0x500  }
0x2d: {  	[sflag:s9] =	ssyncset.done $0x0  }
0x2e: {  	[sflag:s9] =	ssyncadd.s32 $0xFFFFFB00  }
0x2f: {  	_ =	sfence.sel $0x180000  }
0x30: {  	[bflag:$0x0] =	sbarrier.arrive $0xFFFF  }
0x31: {  	p0 =	sne.s32 s1, $0x0;
	_ =	strace $0x90000047  }
0x32: {  	s0 =	sadd.s32 @!p0 $0x100000, s0;
	[bflag:$0x2] =	sbarrier.arrive $0xFFFF  }
0x33: {  	[sflag:s0] =	ssyncadd.tile.s32 @!p0 $0x1;
	_ =	shalt  }
.Lfunc_end2:
_tile_overlayer_lowered:
.L_overlay_start_2:
0x34: {  	(tag) =	ssettag $0x2  }
0x35: {  	s0 =	rddreg [dreg:$0x0];
	s2 =	stileid.u32  }
0x36: {  	s1 =	rddreg [dreg:$0x1];
	p0 =	sne.s32 s2, $0x0  }
0x37: {  	s3 =	rddreg [dreg:$0x2];
	[bflag:$0x3] =	sbarrier.arrive $0xFFFF;
	s2 =	simm.s32 @!p0 $0x1C02  }
0x38: {  	[timem:s3], [sflag:s2] =	dma.local @!p0 [hbm:s0], s1  }
0x39: {  	s0 =	simm.s32 @!p0 $0x2  }
0x3a: {  	_ =	swait.ge @!p0 [sflag:s0], s1  }
0x3b: {  	s1 =	ssub.s32 @!p0 $0x0, s1;
	[sflag:s0] =	ssyncset.done @!p0 $0x0  }
0x3c: {  	[sflag:s0] =	ssyncadd.s32 @!p0 s1  }
0x3d: {  	[bflag:$0x3] =	sbarrier.arrive $0xFFFF  }
0x3e: {  	_ =	shalt  }

// kernel: kernel.13.cloned.1.call-start
scs
__scs_entry_jumppad:
0x0: {  	(pc) =	sbr.rel $0x88, $3  }
0x1: {  	(tag) =	ssettag $0x0;
	lr =	simm.s32 $0x1  }
0x2: {  	[smem:$0x3F96] =	sst lr;
	_ =	strace $0xD0000000  }
0x3: {  	_ = 	snop  }
0x4: {  	_ = 	snop  }
0x5: {  	_ = 	snop  }
0x6: {  	_ = 	snop  }
0x7: {  	_ = 	snop  }
__scs_overlays_trampoline_lowered:
0x8: {  	[smem:$0x3FA5] =	sst s0  }
0x9: {  	[smem:$0x3FA6] =	sst s1  }
0xa: {  	[smem:$0x3FA7] =	sst s2  }
0xb: {  	[smem:$0x3FA8] =	sst s3  }
0xc: {  	[smem:$0x3FA9] =	sst s4  }
0xd: {  	[smem:$0x3FAA] =	sst s5  }
0xe: {  	[smem:$0x3FAB] =	sst s6  }
0xf: {  	[smem:$0x3FAC] =	sst s7  }
0x10: {  	[smem:$0x3FAD] =	sst s8  }
0x11: {  	[smem:$0x3FAE] =	sst s9;
	s0 =	simm.s32 @!p0 $0x0  }
0x12: {  	s1 =	sld [smem:$0x3F94];
	s0 =	simm.s32 @p0 $0x1  }
0x13: {  	[smem:$0x3FAF] =	sst s0;
	s0 =	simm.s32 @!p1 $0x0  }
0x14: {  	s2 =	sld [smem:$0x3F93];
	s0 =	simm.s32 @p1 $0x1  }
0x15: {  	[smem:$0x3FB0] =	sst s0;
	s0 =	simm.s32 @!p2 $0x0  }
0x16: {  	s3 =	sld [smem:$0x3FDB];
	s0 =	simm.s32 @p2 $0x1  }
0x17: {  	s4 =	simm.s32 $0x1BF5;
	[smem:$0x3FB2] =	sst s0  }
0x18: {  	s0 =	sld [smem:$0x3F95];
	_ =	swait.ge [sflag:s4], $0x0  }
0x19: {  	s7 =	sld [smem:$0x3F96]  }
0x1a: {  	s8 =	sadd.s32 $0xFFFFE003, lr  }
0x1b: {  	s9 =	sadd.s32 $0xFFFFFEF7, lr;
	s5 =	simm.s32 $0xFFFFFFFF;
	p2 =	slt.u32 s8, $0xFFFFF086  }
0x1c: {  	p1 =	slt.u32 s9, $0xF7A;
	s5 =	simm.s32 @!p2 $0x0  }
0x1d: {  	s5 =	simm.s32 @p1 $0x1;
	p0 =	seq.s32 s7, s2  }
0x1e: {  	s7 =	smul.u32 @!p0 $0xF7A, s2;
	p2 =	seq.s32 @!p0 s5, $0x0  }
0x1f: {  	s9 =	smul.u32 $0xF7A, s1;
	s8 =	simm.s32 @!p0 $0x1BF5;
	p2 =	por !p2, p0  }
0x20: {  	[sflag:s8] =	ssyncset.s32 @!p0 $0xFFFFF086;
	s6 =	sadd.s32 @!p0 s3, s7;
	s7 =	simm.s32 @!p0 $0x108  }
0x21: {  	s3 =	sadd.s32 s3, s9;
	s6 =	sadd.s32 @!p0 $0x88, s6;
	s7 =	simm.s32 @p2 $0x1082  }
0x22: {  	[simem:s7], [sflag:s8] =	dma.local @!p0 [hbm:s6], $0xF7A  }
0x23: {  	s9 =	sor.u32 $0xD0000000, s2;
	s6 =	simm.s32 $0x108;
	_ =	swait.ge @!p0 [sflag:s8], $0x0  }
0x24: {  	s3 =	sadd.s32 $0x88, s3;
	s6 =	simm.s32 @!p1 $0x1082;
	[sflag:s4] =	ssyncset.s32 $0xFFFFF086  }
0x25: {  	[simem:s6], [sflag:s4] =	dma.local [hbm:s3], $0xF7A  }
0x26: {  	[smem:$0x3F96] =	sst s1;
	(tag) =	ssettag s2;
	_ =	strace s9  }
0x27: {  	s1 =	sld [smem:$0x3FA6]  }
0x28: {  	s2 =	sld [smem:$0x3FA7]  }
0x29: {  	s4 =	sld [smem:$0x3FA9]  }
0x2a: {  	p0 =	seq.s32 s5, $0x0;
	s5 =	sld [smem:$0x3FAA]  }
0x2b: {  	s6 =	sld [smem:$0x3FAB]  }
0x2c: {  	s7 =	sld [smem:$0x3FAC]  }
0x2d: {  	s3 =	simm.s32 $0x108;
	s8 =	sld [smem:$0x3FAD]  }
0x2e: {  	s3 =	simm.s32 @!p0 $0x1082;
	s9 =	sld [smem:$0x3FAE]  }
0x2f: {  	lr =	sadd.s32 s0, s3;
	s0 =	sld [smem:$0x3FA5]  }
0x30: {  	s3 =	sld [smem:$0x3FA8]  }
0x31: {  	[smem:$0x3FB1] =	sst s10  }
0x32: {  	s10 =	sld [smem:$0x3FAF];
	_ =	sdelay $0x3  }
0x33: {  	p0 =	seq.s32 s10, $0x1;
	s10 =	sld [smem:$0x3FB1];
	_ =	sdelay $0x3  }
0x34: {  	[smem:$0x3FB1] =	sst s10  }
0x35: {  	s10 =	sld [smem:$0x3FB0];
	_ =	sdelay $0x3  }
0x36: {  	p1 =	seq.s32 s10, $0x1;
	s10 =	sld [smem:$0x3FB1];
	_ =	sdelay $0x3  }
0x37: {  	[smem:$0x3FB1] =	sst s10  }
0x38: {  	s10 =	sld [smem:$0x3FB2]  }
0x39: {  	_ = 	snop;
	(pc) =	sbr.ind lr, $3  }
0x3a: {  	_ = 	snop  }
0x3b: {  	_ = 	snop  }
0x3c: {  	p2 =	seq.s32 s10, $0x1;
	s10 =	sld [smem:$0x3FB1]  }
0x3d: {  	_ =	shalt  }
0x3e: {  	_ =	shalt  }
0x3f: {  	_ =	shalt  }
0x40: {  	_ =	shalt  }
0x41: {  	_ =	shalt  }
0x42: {  	_ =	shalt  }
0x43: {  	_ =	shalt  }
0x44: {  	_ =	shalt  }
0x45: {  	_ =	shalt  }
0x46: {  	_ =	shalt  }
0x47: {  	_ =	shalt  }
0x48: {  	_ =	shalt  }
0x49: {  	_ =	shalt  }
0x4a: {  	_ =	shalt  }
0x4b: {  	_ =	shalt  }
0x4c: {  	_ =	shalt  }
0x4d: {  	_ =	shalt  }
0x4e: {  	_ =	shalt  }
0x4f: {  	_ =	shalt  }
0x50: {  	_ =	shalt  }
0x51: {  	_ =	shalt  }
0x52: {  	_ =	shalt  }
0x53: {  	_ =	shalt  }
0x54: {  	_ =	shalt  }
0x55: {  	_ =	shalt  }
0x56: {  	_ =	shalt  }
0x57: {  	_ =	shalt  }
0x58: {  	_ =	shalt  }
0x59: {  	_ =	shalt  }
0x5a: {  	_ =	shalt  }
0x5b: {  	_ =	shalt  }
0x5c: {  	_ =	shalt  }
0x5d: {  	_ =	shalt  }
0x5e: {  	_ =	shalt  }
0x5f: {  	_ =	shalt  }
0x60: {  	_ =	shalt  }
0x61: {  	_ =	shalt  }
0x62: {  	_ =	shalt  }
0x63: {  	_ =	shalt  }
0x64: {  	_ =	shalt  }
0x65: {  	_ =	shalt  }
0x66: {  	_ =	shalt  }
0x67: {  	_ =	shalt  }
0x68: {  	_ =	shalt  }
0x69: {  	_ =	shalt  }
0x6a: {  	_ =	shalt  }
0x6b: {  	_ =	shalt  }
0x6c: {  	_ =	shalt  }
0x6d: {  	_ =	shalt  }
0x6e: {  	_ =	shalt  }
0x6f: {  	_ =	shalt  }
0x70: {  	_ =	shalt  }
0x71: {  	_ =	shalt  }
0x72: {  	_ =	shalt  }
0x73: {  	_ =	shalt  }
0x74: {  	_ =	shalt  }
0x75: {  	_ =	shalt  }
0x76: {  	_ =	shalt  }
0x77: {  	_ =	shalt  }
0x78: {  	_ =	shalt  }
0x79: {  	_ =	shalt  }
0x7a: {  	_ =	shalt  }
0x7b: {  	_ =	shalt  }
0x7c: {  	_ =	shalt  }
0x7d: {  	_ =	shalt  }
0x7e: {  	_ =	shalt  }
0x7f: {  	_ =	shalt  }
0x80: {  	_ =	shalt  }
0x81: {  	_ =	shalt  }
0x82: {  	_ =	shalt  }
0x83: {  	_ =	shalt  }
0x84: {  	_ =	shalt  }
0x85: {  	_ =	shalt  }
0x86: {  	_ =	shalt  }
0x87: {  	_ =	shalt  }
.Lfunc_end0:
.L_simem_size_0:
called_computation.1_lowered:
.L_overlay_start_0:
0x88: {  	s2 =	sld [smem:$0x3FD9]  }
0x89: {  	s3 =	sld [smem:$0x3FFE];
	_ =	sdelay $0x1  }
0x8a: {  	s1 =	srdreg.scid  }
0x8b: {  	s0 =	sand.u32 $0x1, s1  }
0x8c: {  	s16 =	sshll.u32 s0, $0xA;
	s2 =	sadd.s32 s3, s2  }
0x8d: {  	s2 =	sadd.s32 s2, s16  }
0x8e: {  	[smem:$0x3FBD] =	sst s2  }
0x8f: {  	_ = 	snop  }
0x90: {  	(tm) =	ssettm $0x1  }
0x91: {  	s17 =	sld [smem:$0x3FFB];
	_ =	sdelay $0x3  }
0x92: {  	_ =	strace s17  }
0x93: {  	s2 =	sld [smem:$0x3FFC];
	_ =	sdelay $0x3  }
0x94: {  	_ =	strace s2  }
0x95: {  	s2 =	sld [smem:$0x3FFD];
	_ =	sdelay $0x3  }
0x96: {  	_ =	strace s2  }
0x97: {  	_ =	strace $0x8FFFFFFF  }
0x98: {  	s18 =	sld [smem:$0x3FDB];
	_ =	sdelay $0x1  }
0x99: {  	s19 =	simm.s32 $_scs_section_size  }
0x9a: {  	s4 =	simm.s32 $_size__tile_overlayer_lowered;
	s5 =	simm.s32 $_tile_overlayer_lowered  }
0x9b: {  	s22 =	simm.s32 $0x1BFF;
	s21 =	sshll.u32 s5, $0x1;
	s2 =	sadd.s32 s19, s18  }
0x9c: {  	s6 =	simm.s32 $0x0;
	s20 =	sshll.u32 s4, $0x1;
	s4 =	sadd.s32 s21, s2  }
0x9d: {  	[timem:s6], [sflag:s22] =	dma.local [hbm:s4], s20  }
0x9e: {  	_ =	swait.ge [sflag:s22], s20  }
0x9f: {  	s3 =	ssub.s32 $0x0, s20;
	[sflag:s22] =	ssyncset.done $0x0  }
0xa0: {  	[sflag:s22] =	ssyncadd.s32 s3;
	_ =	sdelay $0x1  }
0xa1: {  	s23 =	simm.s32 $0x1B8B  }
0xa2: {  	_ =	swait.ge [sflag:s23], $0x1  }
0xa3: {  	[sflag:s23] =	ssyncset.done $0x0  }
0xa4: {  	s25 =	simm.s32 $0x1B8E;
	s24 =	sld [smem:$0x3FFE];
	[sflag:s23] =	ssyncadd.s32 $0xFFFFFFFF  }
0xa5: {  	s26 =	simm.s32 $execute0_lowered;
	[smem:$0x3FD2] =	sst s25  }
0xa6: {  	s4 =	sshll.u32 s26, $0x1;
	_ =	strace $0x80000049;
	[dreg:$0x1] =	wrdreg $0xFFFFFFFF  }
0xa7: {  	s28 =	simm.s32 $_size_execute0_lowered;
	s2 =	sadd.s32 s2, s4;
	[dreg:$0x0] =	wrdreg $0x0  }
0xa8: {  	s4 =	sshll.u32 s28, $0x1;
	[dreg:$0x2] =	wrdreg s2  }
0xa9: {  	[dreg:$0x3] =	wrdreg s4  }
0xaa: {  	[dreg:$0x4] =	wrdreg $0xC0  }
0xab: {  	_ =	task [dreg:s6], $0x5FFFF  }
0xac: {  	[dreg:$0x1] =	wrdreg $0xFFFFFFFF  }
0xad: {  	[dreg:$0x0] =	wrdreg $0x60  }
0xae: {  	[dreg:$0x2] =	wrdreg s24  }
0xaf: {  	[dreg:$0x3] =	wrdreg $0x116200  }
0xb0: {  	[dreg:$0x4] =	wrdreg $0x76200  }
0xb1: {  	[dreg:$0x5] =	wrdreg $0x9  }
0xb2: {  	_ =	task.clear_ibuf [dreg:s6], $0x6FFFF;
	_ =	strace $0x90000049  }
0xb3: {  	s29 =	simm.s32 $0x9;
	_ =	strace $0x8000004B  }
0xb4: {  	_ =	swait.ge [sflag:s29], $0x1  }
0xb5: {  	[sflag:s29] =	ssyncadd.s32 $0xFFFFFFFF  }
0xb6: {  	_ =	strace $0x9000004B  }
0xb7: {  	_ =	sfence  }
0xb8: {  	s30 =	sld [smem:$0x0];
	_ =	sdelay $0x2  }
0xb9: {  	s31 =	sshll.u32 s1, $0xD;
	s1 =	sshrl.u32 s1, $0x2  }
0xba: {  	s3 =	sand.u32 $0x4000, s31;
	s1 =	sadd.s32 s1, s30  }
0xbb: {  	s0 =	sor.u32 s3, s0;
	s1 =	sshll.u32 s1, $0x11  }
0xbc: {  	s0 =	sor.u32 s1, s0  }
0xbd: {  	s0 =	sadd.s32 $0x8F2B, s0  }
0xbe: {  	[sflag:s0] =	ssyncadd.remote.s32 $0x1  }
0xbf: {  	_ =	sfence.sel $0xFFFF  }
0xc0: {  	[dreg:$0x0] =	wrdreg $0xFFFFFFFF;
	(pc) =	sbr.abs _section_cstart, $3  }
0xc1: {  	[dreg:$0x1] =	wrdreg $0xFFFFFFFF  }
0xc2: {  	_ =	task.clear_ibuf [dreg:s6], $0x2FFFF;
	_ =	strace $0x9FFFFFFF  }
0xc3: {  	(tm) =	ssettm $0x7FFFFFFF  }
tec
execute0_lowered:
.L_overlay_start_1:
0x0: {  	(tag) =	ssettag $0x1  }
0x1: {  	s9 =	rddreg [dreg:$0x0]  }
0x2: {  	s1 =	rddreg [dreg:$0x1]  }
0x3: {  	s0 =	srdreg.scid;
	s3 =	rddreg [dreg:$0x2]  }
0x4: {  	s2 =	stileid.u32;
	s4 =	simm.s32 $0x0;
	s17 =	simm.s32 $0x4DD0  }
0x5: {  	s18 =	simm.s32 $0x4;
	s5 =	sand.u32 $0x1, s0;
	s0 =	rddreg [dreg:$0x3]  }
0x6: {  	s7 =	smul.u32 $0xA000, s2;
	[smem:$0x7FF] =	sst s4;
	s31 =	sshll.u32 s2, $0x6  }
0x7: {  	s16 =	sadd.s32 $0xCC40, s9;
	s6 =	sshll.u32 s5, $0x4;
	s30 =	smul.u32 $0x14000, s5  }
0x8: {  	s5 =	ssub.s32 $0x2, s5;
	_ =	strace $0x8000004A;
	s6 =	sor.u32 s2, s6  }
0x9: {  	s19 =	sshrl.u32 s7, $0x3;
	s10 =	sshrl.u32 s5, $0x1;
	s14 =	sadd.s32 s7, s1  }
0xa: {  	s15 =	sadd.s32 s7, s3;
	s13 =	smul.u32 $0x4E2, s6;
	s8 =	sadd.s32 s19, s9  }
0xb: {  	s12 =	sadd.s32 s30, s9;
	s10 =	ssub.s32 s5, s10;
	s6 =	sor.u32 $0x1C03, s31  }
0xc: {  	s5 =	sadd.s32 $0x2AA00, s8;
	s7 =	sadd.s32 $0x16A00, s8;
	s20 =	sadd.s32 $0x3EA00, s12  }
0xd: {  	s12 =	sshrl.u32 s15, $0x3;
	s15 =	simm.s32 $0x1;
	s11 =	sadd.s32 s13, s9  }
0xe: {  	s9 =	smax.u32 s10, $0x1;
	s10 =	sshrl.u32 s14, $0x3;
	s13 =	sadd.s32 s13, s16  }
0xf: {  	s14 =	simm.s32 $0x4E20;
	s16 =	simm.s32 $0x50;
	s19 =	sadd.s32 s19, s20  }
0x10: {  	s20 =	simm.s32 $0x0;
	s8 =	sadd.s32 $0x3000, s11;
	s11 =	simm.s32 $0x3  }
.LBB2_1:
0x11: {  	[spmem:s10], [sflag:s6] =	dma.local [hbm:s5], $0x1400  }
0x12: {  	_ =	swait.ge [sflag:s11], $0x1400  }
0x13: {  	[sflag:s11] =	ssyncset.done $0x0  }
0x14: {  	[sflag:s11] =	ssyncadd.s32 $0xFFFFEC00  }
0x15: {  	[spmem:s12], [sflag:s6] =	dma.local [hbm:s7], $0x1400  }
0x16: {  	_ =	swait.ge [sflag:s11], $0x1400  }
0x17: {  	[sflag:s11] =	ssyncset.done $0x0  }
0x18: {  	[sflag:s11] =	ssyncadd.s32 $0xFFFFEC00  }
0x19: {  	[tilespmem:s4], [sflag:$0x3] =	stream.linear.gather [hbm4b:s8+s4], $0x2710, $0x38;
	[tilespmem:$0x1B620] =	vst v63  }
0x1a: {  	_ =	swait.ge [sflag:s11], $0x2710  }
0x1b: {  	[sflag:s11] =	ssyncset.done $0x0  }
0x1c: {  	s21 =	simm.s32 $0x2710;
	[sflag:s11] =	ssyncadd.s32 $0xFFFFD8F0  }
0x1d: {  	[tilespmem:s21], [sflag:$0x3] =	stream.linear.gather [hbm4b:s13+s4], $0x2710, $0x38;
	[tilespmem:$0x1B620] =	vst v63  }
0x1e: {  	_ =	swait.ge [sflag:s11], $0x2710  }
0x1f: {  	s22 =	sand.u32 $0x1, s4;
	[sflag:s11] =	ssyncset.done $0x0  }
0x20: {  	p0 =	seq.s32 s22, $0x1;
	[sflag:s11] =	ssyncadd.s32 $0xFFFFD8F0  }
0x21: {  	s22 =	simm.s32 @p0 $0x2;
	[bflag:$0x0] =	sbarrier.arrive $0xFFFF  }
0x22: {  	[tilespmem:s14], [sflag:$0x1] =	stream.indirect.gather [spmem:s3], $0x40, s4, s16, $0xb8;
	[tilespmem:$0x1B620] =	vst v63  }
0x23: {  	_ =	swait.ge @p0 [sflag:s22], $0x1400  }
0x24: {  	[sflag:s22] =	ssyncset.done @p0 $0x0  }
0x25: {  	s23 =	simm.s32 @p0 $0x4E20;
	[sflag:s22] =	ssyncadd.s32 @p0 $0xFFFFEC00;
	s22 =	simm.s32 @p0 $0x50  }
0x26: {  	[tilespmem:s23], [sflag:$0x1] =	stream.indirect.gather @p0 [spmem:s3], $0x40, s16, s22, $0xb8;
	[tilespmem:$0x1B620] =	vst v63  }
0x27: {  	s24 =	simm.s32 @!p0 $0x1;
	s23 =	simm.s32 @p0 $0x6220  }
0x28: {  	[spmem:s1] =	stream.indirect.scatter.add.f32 @p0 [tilespmem:s23], [sflag:$0x3], $0x40, s21, s22, $0xb8;
	[tilespmem:$0x1B620] =	vst v63  }
0x29: {  	_ =	swait.ge @!p0 [sflag:s24], $0x1400  }
0x2a: {  	s23 =	simm.s32 @!p0 $0x4;
	[sflag:s24] =	ssyncset.done @!p0 $0x0  }
0x2b: {  	s22 =	simm.s32 @!p0 $0x50;
	[sflag:s24] =	ssyncadd.s32 @!p0 $0xFFFFEC00;
	s24 =	simm.s32 @!p0 $0x6220  }
0x2c: {  	[tilespmem:s24], [sflag:$0x2] =	stream.indirect.gather @!p0 [spmem:s3], $0x40, s16, s22, $0xb8;
	[tilespmem:$0x1B620] =	vst v63  }
0x2d: {  	s25 =	simm.s32 $0x1;
	s23 =	simm.s32 @p0 $0x3;
	s24 =	simm.s32 @!p0 $0x4E20  }
0x2e: {  	[spmem:s1] =	stream.indirect.scatter.add.f32 @!p0 [tilespmem:s24], [sflag:$0x4], $0x40, s21, s22, $0xb8;
	[tilespmem:$0x1B620] =	vst v63  }
0x2f: {  	s25 =	sand.u32 $0x1, s25;
	s24 =	simm.s32 $0x2;
	_ =	swait.ge [sflag:s23], $0x1400  }
0x30: {  	s21 =	simm.s32 $0xA0;
	s22 =	simm.s32 $0x2760;
	[sflag:s23] =	ssyncset.done $0x0  }
.LBB2_2:
0x31: {  	p1 =	seq.s32 s25, $0x1  }
0x32: {  	[sflag:s23] =	ssyncadd.s32 $0xFFFFEC00;
	s25 =	smov.u32 s24;
	s24 =	sadd.s32 $0x1, s24  }
0x33: {  	p0 =	sne.s32 s24, $0x7C;
	s26 =	simm.s32 @p1 $0x2;
	s23 =	simm.s32 @!p1 $0x4  }
0x34: {  	_ =	swait.ge @p1 [sflag:s26], $0x1400  }
0x35: {  	[sflag:s26] =	ssyncset.done @p1 $0x0  }
0x36: {  	s28 =	simm.s32 @p1 $0x4E20;
	[sflag:s26] =	ssyncadd.s32 @p1 $0xFFFFEC00;
	s26 =	simm.s32 @p1 $0x50  }
0x37: {  	[tilespmem:s28], [sflag:$0x1] =	stream.indirect.gather @p1 [spmem:s3], $0x40, s21, s26, $0xb8;
	[tilespmem:$0x1B620] =	vst v63  }
0x38: {  	s29 =	simm.s32 @!p1 $0x1;
	s28 =	simm.s32 @p1 $0x6220  }
0x39: {  	[spmem:s1] =	stream.indirect.scatter.add.f32 @p1 [tilespmem:s28], [sflag:$0x3], $0x40, s22, s26, $0xb8;
	[tilespmem:$0x1B620] =	vst v63  }
0x3a: {  	_ =	swait.ge @!p1 [sflag:s29], $0x1400  }
0x3b: {  	[sflag:s29] =	ssyncset.done @!p1 $0x0  }
0x3c: {  	s26 =	simm.s32 @!p1 $0x50;
	s28 =	simm.s32 @!p1 $0x6220;
	[sflag:s29] =	ssyncadd.s32 @!p1 $0xFFFFEC00  }
0x3d: {  	[tilespmem:s28], [sflag:$0x2] =	stream.indirect.gather @!p1 [spmem:s3], $0x40, s21, s26, $0xb8;
	[tilespmem:$0x1B620] =	vst v63  }
.Ltmp0:
0x3e: {  	_ = 	snop;
	(pc) =	sbr.rel @p0 .LBB2_2-.Ltmp0, $4  }
0x3f: {  	s23 =	simm.s32 @p1 $0x3;
	s28 =	simm.s32 @!p1 $0x4E20  }
0x40: {  	[spmem:s1] =	stream.indirect.scatter.add.f32 @!p1 [tilespmem:s28], [sflag:$0x4], $0x40, s22, s26, $0xb8;
	[tilespmem:$0x1B620] =	vst v63  }
0x41: {  	s21 =	sadd.s32 $0x50, s21;
	_ =	swait.ge [sflag:s23], $0x1400  }
0x42: {  	s25 =	sand.u32 $0x1, s25;
	s22 =	sadd.s32 $0x50, s22;
	[sflag:s23] =	ssyncset.done $0x0  }
0x43: {  	p0 =	seq.s32 s25, $0x1  }
0x44: {  	[sflag:s23] =	ssyncadd.s32 $0xFFFFEC00;
	s23 =	simm.s32 @p0 $0x2  }
0x45: {  	_ =	swait.ge @p0 [sflag:s23], $0x1400  }
0x46: {  	[sflag:s23] =	ssyncset.done @p0 $0x0  }
0x47: {  	s24 =	simm.s32 @p0 $0x4E20;
	[sflag:s23] =	ssyncadd.s32 @p0 $0xFFFFEC00;
	s23 =	simm.s32 @p0 $0x50  }
0x48: {  	[tilespmem:s24], [sflag:$0x1] =	stream.indirect.gather @p0 [spmem:s3], $0x40, s21, s23, $0xb8;
	[tilespmem:$0x1B620] =	vst v63  }
0x49: {  	s25 =	simm.s32 @!p0 $0x1;
	s24 =	simm.s32 @p0 $0x6220  }
0x4a: {  	[spmem:s1] =	stream.indirect.scatter.add.f32 @p0 [tilespmem:s24], [sflag:$0x3], $0x40, s22, s23, $0xb8;
	[tilespmem:$0x1B620] =	vst v63  }
0x4b: {  	_ =	swait.ge @!p0 [sflag:s25], $0x1400  }
0x4c: {  	s23 =	simm.s32 @!p0 $0x4;
	[sflag:s25] =	ssyncset.done @!p0 $0x0  }
0x4d: {  	s24 =	simm.s32 @!p0 $0x50;
	[sflag:s25] =	ssyncadd.s32 @!p0 $0xFFFFEC00;
	s25 =	simm.s32 @!p0 $0x6220  }
0x4e: {  	[tilespmem:s25], [sflag:$0x2] =	stream.indirect.gather @!p0 [spmem:s3], $0x40, s21, s24, $0xb8;
	[tilespmem:$0x1B620] =	vst v63  }
0x4f: {  	s23 =	simm.s32 @p0 $0x3;
	s21 =	simm.s32 @!p0 $0x4E20  }
0x50: {  	[spmem:s1] =	stream.indirect.scatter.add.f32 @!p0 [tilespmem:s21], [sflag:$0x4], $0x40, s22, s24, $0xb8;
	[tilespmem:$0x1B620] =	vst v63  }
0x51: {  	_ =	swait.ge [sflag:s23], $0x1400  }
0x52: {  	[sflag:s23] =	ssyncset.done $0x0  }
0x53: {  	[sflag:s23] =	ssyncadd.s32 $0xFFFFEC00  }
0x54: {  	_ =	swait.ge [sflag:s15], $0x1400  }
0x55: {  	[sflag:s15] =	ssyncset.done $0x0  }
0x56: {  	[sflag:s15] =	ssyncadd.s32 $0xFFFFEC00  }
0x57: {  	[spmem:s1] =	stream.indirect.scatter.add.f32 [tilespmem:s14], [sflag:$0x4], $0x40, s17, s16, $0xb8;
	[tilespmem:$0x1B620] =	vst v63  }
0x58: {  	_ =	swait.ge [sflag:s18], $0x1400  }
0x59: {  	s20 =	sadd.s32 $0x1, s20;
	[sflag:s18] =	ssyncset.done $0x0  }
0x5a: {  	p0 =	sne.s32 s20, s9;
	[sflag:s18] =	ssyncadd.s32 $0xFFFFEC00  }
.Ltmp1:
0x5b: {  	[bflag:$0x0] =	sbarrier.arrive $0xFFFF;
	(pc) =	sbr.rel @p0 .LBB2_1-.Ltmp1, $4  }
0x5c: {  	[hbm:s19], [sflag:s6] =	dma.local [spmem:s10], $0x1400  }
0x5d: {  	_ =	swait.ge [sflag:s11], $0x1400  }
0x5e: {  	[sflag:s11] =	ssyncset.done $0x0  }
0x5f: {  	[sflag:s11] =	ssyncadd.s32 $0xFFFFEC00  }
0x60: {  	_ =	sfence.sel $0x180000  }
0x61: {  	[bflag:$0x0] =	sbarrier.arrive $0xFFFF  }
0x62: {  	p0 =	sne.s32 s2, $0x0;
	_ =	strace $0x9000004A  }
0x63: {  	s0 =	sadd.s32 @!p0 $0x100000, s0;
	[bflag:$0x2] =	sbarrier.arrive $0xFFFF  }
0x64: {  	[sflag:s0] =	ssyncadd.tile.s32 @!p0 $0x1;
	_ =	shalt  }
.Lfunc_end2:
_tile_overlayer_lowered:
.L_overlay_start_2:
0x65: {  	(tag) =	ssettag $0x2  }
0x66: {  	s0 =	rddreg [dreg:$0x0];
	s2 =	stileid.u32  }
0x67: {  	s1 =	rddreg [dreg:$0x1];
	p0 =	sne.s32 s2, $0x0  }
0x68: {  	s3 =	rddreg [dreg:$0x2];
	[bflag:$0x3] =	sbarrier.arrive $0xFFFF;
	s2 =	simm.s32 @!p0 $0x1C03  }
0x69: {  	[timem:s3], [sflag:s2] =	dma.local @!p0 [hbm:s0], s1  }
0x6a: {  	s0 =	simm.s32 @!p0 $0x3  }
0x6b: {  	_ =	swait.ge @!p0 [sflag:s0], s1  }
0x6c: {  	s1 =	ssub.s32 @!p0 $0x0, s1;
	[sflag:s0] =	ssyncset.done @!p0 $0x0  }
0x6d: {  	[sflag:s0] =	ssyncadd.s32 @!p0 s1  }
0x6e: {  	[bflag:$0x3] =	sbarrier.arrive $0xFFFF  }
0x6f: {  	_ =	shalt  }

// kernel: kernel.16.cloned.1.call-start
scs
__scs_entry_jumppad:
0x0: {  	(pc) =	sbr.rel $0x88, $3  }
0x1: {  	(tag) =	ssettag $0x0;
	lr =	simm.s32 $0x1  }
0x2: {  	[smem:$0x3F96] =	sst lr;
	_ =	strace $0xD0000000  }
0x3: {  	_ = 	snop  }
0x4: {  	_ = 	snop  }
0x5: {  	_ = 	snop  }
0x6: {  	_ = 	snop  }
0x7: {  	_ = 	snop  }
__scs_overlays_trampoline_lowered:
0x8: {  	[smem:$0x3FA5] =	sst s0  }
0x9: {  	[smem:$0x3FA6] =	sst s1  }
0xa: {  	[smem:$0x3FA7] =	sst s2  }
0xb: {  	[smem:$0x3FA8] =	sst s3  }
0xc: {  	[smem:$0x3FA9] =	sst s4  }
0xd: {  	[smem:$0x3FAA] =	sst s5  }
0xe: {  	[smem:$0x3FAB] =	sst s6  }
0xf: {  	[smem:$0x3FAC] =	sst s7  }
0x10: {  	[smem:$0x3FAD] =	sst s8  }
0x11: {  	[smem:$0x3FAE] =	sst s9;
	s0 =	simm.s32 @!p0 $0x0  }
0x12: {  	s1 =	sld [smem:$0x3F94];
	s0 =	simm.s32 @p0 $0x1  }
0x13: {  	[smem:$0x3FAF] =	sst s0;
	s0 =	simm.s32 @!p1 $0x0  }
0x14: {  	s2 =	sld [smem:$0x3F93];
	s0 =	simm.s32 @p1 $0x1  }
0x15: {  	[smem:$0x3FB0] =	sst s0;
	s0 =	simm.s32 @!p2 $0x0  }
0x16: {  	s3 =	sld [smem:$0x3FDB];
	s0 =	simm.s32 @p2 $0x1  }
0x17: {  	s4 =	simm.s32 $0x1BF5;
	[smem:$0x3FB2] =	sst s0  }
0x18: {  	s0 =	sld [smem:$0x3F95];
	_ =	swait.ge [sflag:s4], $0x0  }
0x19: {  	s7 =	sld [smem:$0x3F96]  }
0x1a: {  	s8 =	sadd.s32 $0xFFFFE003, lr  }
0x1b: {  	s9 =	sadd.s32 $0xFFFFFEF7, lr;
	s5 =	simm.s32 $0xFFFFFFFF;
	p2 =	slt.u32 s8, $0xFFFFF086  }
0x1c: {  	p1 =	slt.u32 s9, $0xF7A;
	s5 =	simm.s32 @!p2 $0x0  }
0x1d: {  	s5 =	simm.s32 @p1 $0x1;
	p0 =	seq.s32 s7, s2  }
0x1e: {  	s7 =	smul.u32 @!p0 $0xF7A, s2;
	p2 =	seq.s32 @!p0 s5, $0x0  }
0x1f: {  	s9 =	smul.u32 $0xF7A, s1;
	s8 =	simm.s32 @!p0 $0x1BF5;
	p2 =	por !p2, p0  }
0x20: {  	[sflag:s8] =	ssyncset.s32 @!p0 $0xFFFFF086;
	s6 =	sadd.s32 @!p0 s3, s7;
	s7 =	simm.s32 @!p0 $0x108  }
0x21: {  	s3 =	sadd.s32 s3, s9;
	s6 =	sadd.s32 @!p0 $0x88, s6;
	s7 =	simm.s32 @p2 $0x1082  }
0x22: {  	[simem:s7], [sflag:s8] =	dma.local @!p0 [hbm:s6], $0xF7A  }
0x23: {  	s9 =	sor.u32 $0xD0000000, s2;
	s6 =	simm.s32 $0x108;
	_ =	swait.ge @!p0 [sflag:s8], $0x0  }
0x24: {  	s3 =	sadd.s32 $0x88, s3;
	s6 =	simm.s32 @!p1 $0x1082;
	[sflag:s4] =	ssyncset.s32 $0xFFFFF086  }
0x25: {  	[simem:s6], [sflag:s4] =	dma.local [hbm:s3], $0xF7A  }
0x26: {  	[smem:$0x3F96] =	sst s1;
	(tag) =	ssettag s2;
	_ =	strace s9  }
0x27: {  	s1 =	sld [smem:$0x3FA6]  }
0x28: {  	s2 =	sld [smem:$0x3FA7]  }
0x29: {  	s4 =	sld [smem:$0x3FA9]  }
0x2a: {  	p0 =	seq.s32 s5, $0x0;
	s5 =	sld [smem:$0x3FAA]  }
0x2b: {  	s6 =	sld [smem:$0x3FAB]  }
0x2c: {  	s7 =	sld [smem:$0x3FAC]  }
0x2d: {  	s3 =	simm.s32 $0x108;
	s8 =	sld [smem:$0x3FAD]  }
0x2e: {  	s3 =	simm.s32 @!p0 $0x1082;
	s9 =	sld [smem:$0x3FAE]  }
0x2f: {  	lr =	sadd.s32 s0, s3;
	s0 =	sld [smem:$0x3FA5]  }
0x30: {  	s3 =	sld [smem:$0x3FA8]  }
0x31: {  	[smem:$0x3FB1] =	sst s10  }
0x32: {  	s10 =	sld [smem:$0x3FAF];
	_ =	sdelay $0x3  }
0x33: {  	p0 =	seq.s32 s10, $0x1;
	s10 =	sld [smem:$0x3FB1];
	_ =	sdelay $0x3  }
0x34: {  	[smem:$0x3FB1] =	sst s10  }
0x35: {  	s10 =	sld [smem:$0x3FB0];
	_ =	sdelay $0x3  }
0x36: {  	p1 =	seq.s32 s10, $0x1;
	s10 =	sld [smem:$0x3FB1];
	_ =	sdelay $0x3  }
0x37: {  	[smem:$0x3FB1] =	sst s10  }
0x38: {  	s10 =	sld [smem:$0x3FB2]  }
0x39: {  	_ = 	snop;
	(pc) =	sbr.ind lr, $3  }
0x3a: {  	_ = 	snop  }
0x3b: {  	_ = 	snop  }
0x3c: {  	p2 =	seq.s32 s10, $0x1;
	s10 =	sld [smem:$0x3FB1]  }
0x3d: {  	_ =	shalt  }
0x3e: {  	_ =	shalt  }
0x3f: {  	_ =	shalt  }
0x40: {  	_ =	shalt  }
0x41: {  	_ =	shalt  }
0x42: {  	_ =	shalt  }
0x43: {  	_ =	shalt  }
0x44: {  	_ =	shalt  }
0x45: {  	_ =	shalt  }
0x46: {  	_ =	shalt  }
0x47: {  	_ =	shalt  }
0x48: {  	_ =	shalt  }
0x49: {  	_ =	shalt  }
0x4a: {  	_ =	shalt  }
0x4b: {  	_ =	shalt  }
0x4c: {  	_ =	shalt  }
0x4d: {  	_ =	shalt  }
0x4e: {  	_ =	shalt  }
0x4f: {  	_ =	shalt  }
0x50: {  	_ =	shalt  }
0x51: {  	_ =	shalt  }
0x52: {  	_ =	shalt  }
0x53: {  	_ =	shalt  }
0x54: {  	_ =	shalt  }
0x55: {  	_ =	shalt  }
0x56: {  	_ =	shalt  }
0x57: {  	_ =	shalt  }
0x58: {  	_ =	shalt  }
0x59: {  	_ =	shalt  }
0x5a: {  	_ =	shalt  }
0x5b: {  	_ =	shalt  }
0x5c: {  	_ =	shalt  }
0x5d: {  	_ =	shalt  }
0x5e: {  	_ =	shalt  }
0x5f: {  	_ =	shalt  }
0x60: {  	_ =	shalt  }
0x61: {  	_ =	shalt  }
0x62: {  	_ =	shalt  }
0x63: {  	_ =	shalt  }
0x64: {  	_ =	shalt  }
0x65: {  	_ =	shalt  }
0x66: {  	_ =	shalt  }
0x67: {  	_ =	shalt  }
0x68: {  	_ =	shalt  }
0x69: {  	_ =	shalt  }
0x6a: {  	_ =	shalt  }
0x6b: {  	_ =	shalt  }
0x6c: {  	_ =	shalt  }
0x6d: {  	_ =	shalt  }
0x6e: {  	_ =	shalt  }
0x6f: {  	_ =	shalt  }
0x70: {  	_ =	shalt  }
0x71: {  	_ =	shalt  }
0x72: {  	_ =	shalt  }
0x73: {  	_ =	shalt  }
0x74: {  	_ =	shalt  }
0x75: {  	_ =	shalt  }
0x76: {  	_ =	shalt  }
0x77: {  	_ =	shalt  }
0x78: {  	_ =	shalt  }
0x79: {  	_ =	shalt  }
0x7a: {  	_ =	shalt  }
0x7b: {  	_ =	shalt  }
0x7c: {  	_ =	shalt  }
0x7d: {  	_ =	shalt  }
0x7e: {  	_ =	shalt  }
0x7f: {  	_ =	shalt  }
0x80: {  	_ =	shalt  }
0x81: {  	_ =	shalt  }
0x82: {  	_ =	shalt  }
0x83: {  	_ =	shalt  }
0x84: {  	_ =	shalt  }
0x85: {  	_ =	shalt  }
0x86: {  	_ =	shalt  }
0x87: {  	_ =	shalt  }
.Lfunc_end0:
.L_simem_size_0:
called_computation.2_lowered:
.L_overlay_start_0:
0x88: {  	s2 =	sld [smem:$0x3FD9]  }
0x89: {  	s3 =	sld [smem:$0x3FFE];
	_ =	sdelay $0x1  }
0x8a: {  	s1 =	srdreg.scid  }
0x8b: {  	s0 =	sand.u32 $0x1, s1  }
0x8c: {  	s16 =	sshll.u32 s0, $0xA;
	s2 =	sadd.s32 s3, s2  }
0x8d: {  	s2 =	sadd.s32 s2, s16  }
0x8e: {  	[smem:$0x3FBD] =	sst s2  }
0x8f: {  	_ = 	snop  }
0x90: {  	(tm) =	ssettm $0x1  }
0x91: {  	s17 =	sld [smem:$0x3FFB];
	_ =	sdelay $0x3  }
0x92: {  	_ =	strace s17  }
0x93: {  	s2 =	sld [smem:$0x3FFC];
	_ =	sdelay $0x3  }
0x94: {  	_ =	strace s2  }
0x95: {  	s2 =	sld [smem:$0x3FFD];
	_ =	sdelay $0x3  }
0x96: {  	_ =	strace s2  }
0x97: {  	_ =	strace $0x8FFFFFFF  }
0x98: {  	s18 =	sld [smem:$0x3FDB];
	_ =	sdelay $0x1  }
0x99: {  	s19 =	simm.s32 $_scs_section_size  }
0x9a: {  	s4 =	simm.s32 $_size__tile_overlayer_lowered;
	s5 =	simm.s32 $_tile_overlayer_lowered  }
0x9b: {  	s22 =	simm.s32 $0x1BFF;
	s21 =	sshll.u32 s5, $0x1;
	s2 =	sadd.s32 s19, s18  }
0x9c: {  	s6 =	simm.s32 $0x0;
	s20 =	sshll.u32 s4, $0x1;
	s4 =	sadd.s32 s21, s2  }
0x9d: {  	[timem:s6], [sflag:s22] =	dma.local [hbm:s4], s20  }
0x9e: {  	_ =	swait.ge [sflag:s22], s20  }
0x9f: {  	s3 =	ssub.s32 $0x0, s20;
	[sflag:s22] =	ssyncset.done $0x0  }
0xa0: {  	[sflag:s22] =	ssyncadd.s32 s3;
	_ =	sdelay $0x1  }
0xa1: {  	s23 =	simm.s32 $0x1B8B  }
0xa2: {  	_ =	swait.ge [sflag:s23], $0x1  }
0xa3: {  	[sflag:s23] =	ssyncset.done $0x0  }
0xa4: {  	s25 =	simm.s32 $0x1B8E;
	s24 =	sld [smem:$0x3FFE];
	[sflag:s23] =	ssyncadd.s32 $0xFFFFFFFF  }
0xa5: {  	s26 =	simm.s32 $execute0_lowered;
	[smem:$0x3FD2] =	sst s25  }
0xa6: {  	s4 =	sshll.u32 s26, $0x1;
	_ =	strace $0x8000004C;
	[dreg:$0x1] =	wrdreg $0xFFFFFFFF  }
0xa7: {  	s28 =	simm.s32 $_size_execute0_lowered;
	s2 =	sadd.s32 s2, s4;
	[dreg:$0x0] =	wrdreg $0x0  }
0xa8: {  	s4 =	sshll.u32 s28, $0x1;
	[dreg:$0x2] =	wrdreg s2  }
0xa9: {  	[dreg:$0x3] =	wrdreg s4  }
0xaa: {  	[dreg:$0x4] =	wrdreg $0xC0  }
0xab: {  	_ =	task [dreg:s6], $0x5FFFF  }
0xac: {  	[dreg:$0x1] =	wrdreg $0xFFFFFFFF  }
0xad: {  	[dreg:$0x0] =	wrdreg $0x60  }
0xae: {  	[dreg:$0x2] =	wrdreg s24  }
0xaf: {  	[dreg:$0x3] =	wrdreg $0x116200  }
0xb0: {  	[dreg:$0x4] =	wrdreg $0x76200  }
0xb1: {  	[dreg:$0x5] =	wrdreg $0x9  }
0xb2: {  	_ =	task.clear_ibuf [dreg:s6], $0x6FFFF;
	_ =	strace $0x9000004C  }
0xb3: {  	s29 =	simm.s32 $0x9;
	_ =	strace $0x8000004E  }
0xb4: {  	_ =	swait.ge [sflag:s29], $0x1  }
0xb5: {  	[sflag:s29] =	ssyncadd.s32 $0xFFFFFFFF  }
0xb6: {  	_ =	strace $0x9000004E  }
0xb7: {  	_ =	sfence  }
0xb8: {  	s30 =	sld [smem:$0x0];
	_ =	sdelay $0x2  }
0xb9: {  	s31 =	sshll.u32 s1, $0xD;
	s1 =	sshrl.u32 s1, $0x2  }
0xba: {  	s3 =	sand.u32 $0x4000, s31;
	s1 =	sadd.s32 s1, s30  }
0xbb: {  	s0 =	sor.u32 s3, s0;
	s1 =	sshll.u32 s1, $0x11  }
0xbc: {  	s0 =	sor.u32 s1, s0  }
0xbd: {  	s0 =	sadd.s32 $0x8F2B, s0  }
0xbe: {  	[sflag:s0] =	ssyncadd.remote.s32 $0x1  }
0xbf: {  	_ =	sfence.sel $0xFFFF  }
0xc0: {  	[dreg:$0x0] =	wrdreg $0xFFFFFFFF;
	(pc) =	sbr.abs _section_cstart, $3  }
0xc1: {  	[dreg:$0x1] =	wrdreg $0xFFFFFFFF  }
0xc2: {  	_ =	task.clear_ibuf [dreg:s6], $0x2FFFF;
	_ =	strace $0x9FFFFFFF  }
0xc3: {  	(tm) =	ssettm $0x7FFFFFFF  }
tec
execute0_lowered:
.L_overlay_start_1:
0x0: {  	(tag) =	ssettag $0x1  }
0x1: {  	s9 =	rddreg [dreg:$0x0]  }
0x2: {  	s1 =	rddreg [dreg:$0x1]  }
0x3: {  	s0 =	srdreg.scid;
	s3 =	rddreg [dreg:$0x2]  }
0x4: {  	s2 =	stileid.u32;
	s4 =	simm.s32 $0x0;
	s17 =	simm.s32 $0x4DD0  }
0x5: {  	s18 =	simm.s32 $0x4;
	s5 =	sand.u32 $0x1, s0;
	s0 =	rddreg [dreg:$0x3]  }
0x6: {  	s7 =	smul.u32 $0xA000, s2;
	[smem:$0x7FF] =	sst s4;
	s31 =	sshll.u32 s2, $0x6  }
0x7: {  	s16 =	sadd.s32 $0xCC40, s9;
	s6 =	sshll.u32 s5, $0x4;
	s30 =	smul.u32 $0x14000, s5  }
0x8: {  	s5 =	ssub.s32 $0x2, s5;
	_ =	strace $0x8000004D;
	s6 =	sor.u32 s2, s6  }
0x9: {  	s19 =	sshrl.u32 s7, $0x3;
	s10 =	sshrl.u32 s5, $0x1;
	s14 =	sadd.s32 s7, s1  }
0xa: {  	s15 =	sadd.s32 s7, s3;
	s13 =	smul.u32 $0x4E2, s6;
	s8 =	sadd.s32 s19, s9  }
0xb: {  	s12 =	sadd.s32 s30, s9;
	s10 =	ssub.s32 s5, s10;
	s6 =	sor.u32 $0x1C03, s31  }
0xc: {  	s5 =	sadd.s32 $0x2AA00, s8;
	s7 =	sadd.s32 $0x16A00, s8;
	s20 =	sadd.s32 $0x3EA00, s12  }
0xd: {  	s12 =	sshrl.u32 s15, $0x3;
	s15 =	simm.s32 $0x1;
	s11 =	sadd.s32 s13, s9  }
0xe: {  	s9 =	smax.u32 s10, $0x1;
	s10 =	sshrl.u32 s14, $0x3;
	s13 =	sadd.s32 s13, s16  }
0xf: {  	s14 =	simm.s32 $0x4E20;
	s16 =	simm.s32 $0x50;
	s19 =	sadd.s32 s19, s20  }
0x10: {  	s20 =	simm.s32 $0x0;
	s8 =	sadd.s32 $0x3000, s11;
	s11 =	simm.s32 $0x3  }
.LBB2_1:
0x11: {  	[spmem:s10], [sflag:s6] =	dma.local [hbm:s5], $0x1400  }
0x12: {  	_ =	swait.ge [sflag:s11], $0x1400  }
0x13: {  	[sflag:s11] =	ssyncset.done $0x0  }
0x14: {  	[sflag:s11] =	ssyncadd.s32 $0xFFFFEC00  }
0x15: {  	[spmem:s12], [sflag:s6] =	dma.local [hbm:s7], $0x1400  }
0x16: {  	_ =	swait.ge [sflag:s11], $0x1400  }
0x17: {  	[sflag:s11] =	ssyncset.done $0x0  }
0x18: {  	[sflag:s11] =	ssyncadd.s32 $0xFFFFEC00  }
0x19: {  	[tilespmem:s4], [sflag:$0x3] =	stream.linear.gather [hbm4b:s8+s4], $0x2710, $0x38;
	[tilespmem:$0x1B620] =	vst v63  }
0x1a: {  	_ =	swait.ge [sflag:s11], $0x2710  }
0x1b: {  	[sflag:s11] =	ssyncset.done $0x0  }
0x1c: {  	s21 =	simm.s32 $0x2710;
	[sflag:s11] =	ssyncadd.s32 $0xFFFFD8F0  }
0x1d: {  	[tilespmem:s21], [sflag:$0x3] =	stream.linear.gather [hbm4b:s13+s4], $0x2710, $0x38;
	[tilespmem:$0x1B620] =	vst v63  }
0x1e: {  	_ =	swait.ge [sflag:s11], $0x2710  }
0x1f: {  	s22 =	sand.u32 $0x1, s4;
	[sflag:s11] =	ssyncset.done $0x0  }
0x20: {  	p0 =	seq.s32 s22, $0x1;
	[sflag:s11] =	ssyncadd.s32 $0xFFFFD8F0  }
0x21: {  	s22 =	simm.s32 @p0 $0x2;
	[bflag:$0x0] =	sbarrier.arrive $0xFFFF  }
0x22: {  	[tilespmem:s14], [sflag:$0x1] =	stream.indirect.gather [spmem:s3], $0x40, s4, s16, $0xb8;
	[tilespmem:$0x1B620] =	vst v63  }
0x23: {  	_ =	swait.ge @p0 [sflag:s22], $0x1400  }
0x24: {  	[sflag:s22] =	ssyncset.done @p0 $0x0  }
0x25: {  	s23 =	simm.s32 @p0 $0x4E20;
	[sflag:s22] =	ssyncadd.s32 @p0 $0xFFFFEC00;
	s22 =	simm.s32 @p0 $0x50  }
0x26: {  	[tilespmem:s23], [sflag:$0x1] =	stream.indirect.gather @p0 [spmem:s3], $0x40, s16, s22, $0xb8;
	[tilespmem:$0x1B620] =	vst v63  }
0x27: {  	s24 =	simm.s32 @!p0 $0x1;
	s23 =	simm.s32 @p0 $0x6220  }
0x28: {  	[spmem:s1] =	stream.indirect.scatter.add.f32 @p0 [tilespmem:s23], [sflag:$0x3], $0x40, s21, s22, $0xb8;
	[tilespmem:$0x1B620] =	vst v63  }
0x29: {  	_ =	swait.ge @!p0 [sflag:s24], $0x1400  }
0x2a: {  	s23 =	simm.s32 @!p0 $0x4;
	[sflag:s24] =	ssyncset.done @!p0 $0x0  }
0x2b: {  	s22 =	simm.s32 @!p0 $0x50;
	[sflag:s24] =	ssyncadd.s32 @!p0 $0xFFFFEC00;
	s24 =	simm.s32 @!p0 $0x6220  }
0x2c: {  	[tilespmem:s24], [sflag:$0x2] =	stream.indirect.gather @!p0 [spmem:s3], $0x40, s16, s22, $0xb8;
	[tilespmem:$0x1B620] =	vst v63  }
0x2d: {  	s25 =	simm.s32 $0x1;
	s23 =	simm.s32 @p0 $0x3;
	s24 =	simm.s32 @!p0 $0x4E20  }
0x2e: {  	[spmem:s1] =	stream.indirect.scatter.add.f32 @!p0 [tilespmem:s24], [sflag:$0x4], $0x40, s21, s22, $0xb8;
	[tilespmem:$0x1B620] =	vst v63  }
0x2f: {  	s25 =	sand.u32 $0x1, s25;
	s24 =	simm.s32 $0x2;
	_ =	swait.ge [sflag:s23], $0x1400  }
0x30: {  	s21 =	simm.s32 $0xA0;
	s22 =	simm.s32 $0x2760;
	[sflag:s23] =	ssyncset.done $0x0  }
.LBB2_2:
0x31: {  	p1 =	seq.s32 s25, $0x1  }
0x32: {  	[sflag:s23] =	ssyncadd.s32 $0xFFFFEC00;
	s25 =	smov.u32 s24;
	s24 =	sadd.s32 $0x1, s24  }
0x33: {  	p0 =	sne.s32 s24, $0x7C;
	s26 =	simm.s32 @p1 $0x2;
	s23 =	simm.s32 @!p1 $0x4  }
0x34: {  	_ =	swait.ge @p1 [sflag:s26], $0x1400  }
0x35: {  	[sflag:s26] =	ssyncset.done @p1 $0x0  }
0x36: {  	s28 =	simm.s32 @p1 $0x4E20;
	[sflag:s26] =	ssyncadd.s32 @p1 $0xFFFFEC00;
	s26 =	simm.s32 @p1 $0x50  }
0x37: {  	[tilespmem:s28], [sflag:$0x1] =	stream.indirect.gather @p1 [spmem:s3], $0x40, s21, s26, $0xb8;
	[tilespmem:$0x1B620] =	vst v63  }
0x38: {  	s29 =	simm.s32 @!p1 $0x1;
	s28 =	simm.s32 @p1 $0x6220  }
0x39: {  	[spmem:s1] =	stream.indirect.scatter.add.f32 @p1 [tilespmem:s28], [sflag:$0x3], $0x40, s22, s26, $0xb8;
	[tilespmem:$0x1B620] =	vst v63  }
0x3a: {  	_ =	swait.ge @!p1 [sflag:s29], $0x1400  }
0x3b: {  	[sflag:s29] =	ssyncset.done @!p1 $0x0  }
0x3c: {  	s26 =	simm.s32 @!p1 $0x50;
	s28 =	simm.s32 @!p1 $0x6220;
	[sflag:s29] =	ssyncadd.s32 @!p1 $0xFFFFEC00  }
0x3d: {  	[tilespmem:s28], [sflag:$0x2] =	stream.indirect.gather @!p1 [spmem:s3], $0x40, s21, s26, $0xb8;
	[tilespmem:$0x1B620] =	vst v63  }
.Ltmp0:
0x3e: {  	_ = 	snop;
	(pc) =	sbr.rel @p0 .LBB2_2-.Ltmp0, $4  }
0x3f: {  	s23 =	simm.s32 @p1 $0x3;
	s28 =	simm.s32 @!p1 $0x4E20  }
0x40: {  	[spmem:s1] =	stream.indirect.scatter.add.f32 @!p1 [tilespmem:s28], [sflag:$0x4], $0x40, s22, s26, $0xb8;
	[tilespmem:$0x1B620] =	vst v63  }
0x41: {  	s21 =	sadd.s32 $0x50, s21;
	_ =	swait.ge [sflag:s23], $0x1400  }
0x42: {  	s25 =	sand.u32 $0x1, s25;
	s22 =	sadd.s32 $0x50, s22;
	[sflag:s23] =	ssyncset.done $0x0  }
0x43: {  	p0 =	seq.s32 s25, $0x1  }
0x44: {  	[sflag:s23] =	ssyncadd.s32 $0xFFFFEC00;
	s23 =	simm.s32 @p0 $0x2  }
0x45: {  	_ =	swait.ge @p0 [sflag:s23], $0x1400  }
0x46: {  	[sflag:s23] =	ssyncset.done @p0 $0x0  }
0x47: {  	s24 =	simm.s32 @p0 $0x4E20;
	[sflag:s23] =	ssyncadd.s32 @p0 $0xFFFFEC00;
	s23 =	simm.s32 @p0 $0x50  }
0x48: {  	[tilespmem:s24], [sflag:$0x1] =	stream.indirect.gather @p0 [spmem:s3], $0x40, s21, s23, $0xb8;
	[tilespmem:$0x1B620] =	vst v63  }
0x49: {  	s25 =	simm.s32 @!p0 $0x1;
	s24 =	simm.s32 @p0 $0x6220  }
0x4a: {  	[spmem:s1] =	stream.indirect.scatter.add.f32 @p0 [tilespmem:s24], [sflag:$0x3], $0x40, s22, s23, $0xb8;
	[tilespmem:$0x1B620] =	vst v63  }
0x4b: {  	_ =	swait.ge @!p0 [sflag:s25], $0x1400  }
0x4c: {  	s23 =	simm.s32 @!p0 $0x4;
	[sflag:s25] =	ssyncset.done @!p0 $0x0  }
0x4d: {  	s24 =	simm.s32 @!p0 $0x50;
	[sflag:s25] =	ssyncadd.s32 @!p0 $0xFFFFEC00;
	s25 =	simm.s32 @!p0 $0x6220  }
0x4e: {  	[tilespmem:s25], [sflag:$0x2] =	stream.indirect.gather @!p0 [spmem:s3], $0x40, s21, s24, $0xb8;
	[tilespmem:$0x1B620] =	vst v63  }
0x4f: {  	s23 =	simm.s32 @p0 $0x3;
	s21 =	simm.s32 @!p0 $0x4E20  }
0x50: {  	[spmem:s1] =	stream.indirect.scatter.add.f32 @!p0 [tilespmem:s21], [sflag:$0x4], $0x40, s22, s24, $0xb8;
	[tilespmem:$0x1B620] =	vst v63  }
0x51: {  	_ =	swait.ge [sflag:s23], $0x1400  }
0x52: {  	[sflag:s23] =	ssyncset.done $0x0  }
0x53: {  	[sflag:s23] =	ssyncadd.s32 $0xFFFFEC00  }
0x54: {  	_ =	swait.ge [sflag:s15], $0x1400  }
0x55: {  	[sflag:s15] =	ssyncset.done $0x0  }
0x56: {  	[sflag:s15] =	ssyncadd.s32 $0xFFFFEC00  }
0x57: {  	[spmem:s1] =	stream.indirect.scatter.add.f32 [tilespmem:s14], [sflag:$0x4], $0x40, s17, s16, $0xb8;
	[tilespmem:$0x1B620] =	vst v63  }
0x58: {  	_ =	swait.ge [sflag:s18], $0x1400  }
0x59: {  	s20 =	sadd.s32 $0x1, s20;
	[sflag:s18] =	ssyncset.done $0x0  }
0x5a: {  	p0 =	sne.s32 s20, s9;
	[sflag:s18] =	ssyncadd.s32 $0xFFFFEC00  }
.Ltmp1:
0x5b: {  	[bflag:$0x0] =	sbarrier.arrive $0xFFFF;
	(pc) =	sbr.rel @p0 .LBB2_1-.Ltmp1, $4  }
0x5c: {  	[hbm:s19], [sflag:s6] =	dma.local [spmem:s10], $0x1400  }
0x5d: {  	_ =	swait.ge [sflag:s11], $0x1400  }
0x5e: {  	[sflag:s11] =	ssyncset.done $0x0  }
0x5f: {  	[sflag:s11] =	ssyncadd.s32 $0xFFFFEC00  }
0x60: {  	_ =	sfence.sel $0x180000  }
0x61: {  	[bflag:$0x0] =	sbarrier.arrive $0xFFFF  }
0x62: {  	p0 =	sne.s32 s2, $0x0;
	_ =	strace $0x9000004D  }
0x63: {  	s0 =	sadd.s32 @!p0 $0x100000, s0;
	[bflag:$0x2] =	sbarrier.arrive $0xFFFF  }
0x64: {  	[sflag:s0] =	ssyncadd.tile.s32 @!p0 $0x1;
	_ =	shalt  }
.Lfunc_end2:
_tile_overlayer_lowered:
.L_overlay_start_2:
0x65: {  	(tag) =	ssettag $0x2  }
0x66: {  	s0 =	rddreg [dreg:$0x0];
	s2 =	stileid.u32  }
0x67: {  	s1 =	rddreg [dreg:$0x1];
	p0 =	sne.s32 s2, $0x0  }
0x68: {  	s3 =	rddreg [dreg:$0x2];
	[bflag:$0x3] =	sbarrier.arrive $0xFFFF;
	s2 =	simm.s32 @!p0 $0x1C03  }
0x69: {  	[timem:s3], [sflag:s2] =	dma.local @!p0 [hbm:s0], s1  }
0x6a: {  	s0 =	simm.s32 @!p0 $0x3  }
0x6b: {  	_ =	swait.ge @!p0 [sflag:s0], s1  }
0x6c: {  	s1 =	ssub.s32 @!p0 $0x0, s1;
	[sflag:s0] =	ssyncset.done @!p0 $0x0  }
0x6d: {  	[sflag:s0] =	ssyncadd.s32 @!p0 s1  }
0x6e: {  	[bflag:$0x3] =	sbarrier.arrive $0xFFFF  }
0x6f: {  	_ =	shalt  }

// kernel: kernel.19.cloned.1.call-start
scs
__scs_entry_jumppad:
0x0: {  	(pc) =	sbr.rel $0x88, $3  }
0x1: {  	(tag) =	ssettag $0x0;
	lr =	simm.s32 $0x1  }
0x2: {  	[smem:$0x3F96] =	sst lr;
	_ =	strace $0xD0000000  }
0x3: {  	_ = 	snop  }
0x4: {  	_ = 	snop  }
0x5: {  	_ = 	snop  }
0x6: {  	_ = 	snop  }
0x7: {  	_ = 	snop  }
__scs_overlays_trampoline_lowered:
0x8: {  	[smem:$0x3FA5] =	sst s0  }
0x9: {  	[smem:$0x3FA6] =	sst s1  }
0xa: {  	[smem:$0x3FA7] =	sst s2  }
0xb: {  	[smem:$0x3FA8] =	sst s3  }
0xc: {  	[smem:$0x3FA9] =	sst s4  }
0xd: {  	[smem:$0x3FAA] =	sst s5  }
0xe: {  	[smem:$0x3FAB] =	sst s6  }
0xf: {  	[smem:$0x3FAC] =	sst s7  }
0x10: {  	[smem:$0x3FAD] =	sst s8  }
0x11: {  	[smem:$0x3FAE] =	sst s9;
	s0 =	simm.s32 @!p0 $0x0  }
0x12: {  	s1 =	sld [smem:$0x3F94];
	s0 =	simm.s32 @p0 $0x1  }
0x13: {  	[smem:$0x3FAF] =	sst s0;
	s0 =	simm.s32 @!p1 $0x0  }
0x14: {  	s2 =	sld [smem:$0x3F93];
	s0 =	simm.s32 @p1 $0x1  }
0x15: {  	[smem:$0x3FB0] =	sst s0;
	s0 =	simm.s32 @!p2 $0x0  }
0x16: {  	s3 =	sld [smem:$0x3FDB];
	s0 =	simm.s32 @p2 $0x1  }
0x17: {  	s4 =	simm.s32 $0x1BF5;
	[smem:$0x3FB2] =	sst s0  }
0x18: {  	s0 =	sld [smem:$0x3F95];
	_ =	swait.ge [sflag:s4], $0x0  }
0x19: {  	s7 =	sld [smem:$0x3F96]  }
0x1a: {  	s8 =	sadd.s32 $0xFFFFE003, lr  }
0x1b: {  	s9 =	sadd.s32 $0xFFFFFEF7, lr;
	s5 =	simm.s32 $0xFFFFFFFF;
	p2 =	slt.u32 s8, $0xFFFFF086  }
0x1c: {  	p1 =	slt.u32 s9, $0xF7A;
	s5 =	simm.s32 @!p2 $0x0  }
0x1d: {  	s5 =	simm.s32 @p1 $0x1;
	p0 =	seq.s32 s7, s2  }
0x1e: {  	s7 =	smul.u32 @!p0 $0xF7A, s2;
	p2 =	seq.s32 @!p0 s5, $0x0  }
0x1f: {  	s9 =	smul.u32 $0xF7A, s1;
	s8 =	simm.s32 @!p0 $0x1BF5;
	p2 =	por !p2, p0  }
0x20: {  	[sflag:s8] =	ssyncset.s32 @!p0 $0xFFFFF086;
	s6 =	sadd.s32 @!p0 s3, s7;
	s7 =	simm.s32 @!p0 $0x108  }
0x21: {  	s3 =	sadd.s32 s3, s9;
	s6 =	sadd.s32 @!p0 $0x88, s6;
	s7 =	simm.s32 @p2 $0x1082  }
0x22: {  	[simem:s7], [sflag:s8] =	dma.local @!p0 [hbm:s6], $0xF7A  }
0x23: {  	s9 =	sor.u32 $0xD0000000, s2;
	s6 =	simm.s32 $0x108;
	_ =	swait.ge @!p0 [sflag:s8], $0x0  }
0x24: {  	s3 =	sadd.s32 $0x88, s3;
	s6 =	simm.s32 @!p1 $0x1082;
	[sflag:s4] =	ssyncset.s32 $0xFFFFF086  }
0x25: {  	[simem:s6], [sflag:s4] =	dma.local [hbm:s3], $0xF7A  }
0x26: {  	[smem:$0x3F96] =	sst s1;
	(tag) =	ssettag s2;
	_ =	strace s9  }
0x27: {  	s1 =	sld [smem:$0x3FA6]  }
0x28: {  	s2 =	sld [smem:$0x3FA7]  }
0x29: {  	s4 =	sld [smem:$0x3FA9]  }
0x2a: {  	p0 =	seq.s32 s5, $0x0;
	s5 =	sld [smem:$0x3FAA]  }
0x2b: {  	s6 =	sld [smem:$0x3FAB]  }
0x2c: {  	s7 =	sld [smem:$0x3FAC]  }
0x2d: {  	s3 =	simm.s32 $0x108;
	s8 =	sld [smem:$0x3FAD]  }
0x2e: {  	s3 =	simm.s32 @!p0 $0x1082;
	s9 =	sld [smem:$0x3FAE]  }
0x2f: {  	lr =	sadd.s32 s0, s3;
	s0 =	sld [smem:$0x3FA5]  }
0x30: {  	s3 =	sld [smem:$0x3FA8]  }
0x31: {  	[smem:$0x3FB1] =	sst s10  }
0x32: {  	s10 =	sld [smem:$0x3FAF];
	_ =	sdelay $0x3  }
0x33: {  	p0 =	seq.s32 s10, $0x1;
	s10 =	sld [smem:$0x3FB1];
	_ =	sdelay $0x3  }
0x34: {  	[smem:$0x3FB1] =	sst s10  }
0x35: {  	s10 =	sld [smem:$0x3FB0];
	_ =	sdelay $0x3  }
0x36: {  	p1 =	seq.s32 s10, $0x1;
	s10 =	sld [smem:$0x3FB1];
	_ =	sdelay $0x3  }
0x37: {  	[smem:$0x3FB1] =	sst s10  }
0x38: {  	s10 =	sld [smem:$0x3FB2]  }
0x39: {  	_ = 	snop;
	(pc) =	sbr.ind lr, $3  }
0x3a: {  	_ = 	snop  }
0x3b: {  	_ = 	snop  }
0x3c: {  	p2 =	seq.s32 s10, $0x1;
	s10 =	sld [smem:$0x3FB1]  }
0x3d: {  	_ =	shalt  }
0x3e: {  	_ =	shalt  }
0x3f: {  	_ =	shalt  }
0x40: {  	_ =	shalt  }
0x41: {  	_ =	shalt  }
0x42: {  	_ =	shalt  }
0x43: {  	_ =	shalt  }
0x44: {  	_ =	shalt  }
0x45: {  	_ =	shalt  }
0x46: {  	_ =	shalt  }
0x47: {  	_ =	shalt  }
0x48: {  	_ =	shalt  }
0x49: {  	_ =	shalt  }
0x4a: {  	_ =	shalt  }
0x4b: {  	_ =	shalt  }
0x4c: {  	_ =	shalt  }
0x4d: {  	_ =	shalt  }
0x4e: {  	_ =	shalt  }
0x4f: {  	_ =	shalt  }
0x50: {  	_ =	shalt  }
0x51: {  	_ =	shalt  }
0x52: {  	_ =	shalt  }
0x53: {  	_ =	shalt  }
0x54: {  	_ =	shalt  }
0x55: {  	_ =	shalt  }
0x56: {  	_ =	shalt  }
0x57: {  	_ =	shalt  }
0x58: {  	_ =	shalt  }
0x59: {  	_ =	shalt  }
0x5a: {  	_ =	shalt  }
0x5b: {  	_ =	shalt  }
0x5c: {  	_ =	shalt  }
0x5d: {  	_ =	shalt  }
0x5e: {  	_ =	shalt  }
0x5f: {  	_ =	shalt  }
0x60: {  	_ =	shalt  }
0x61: {  	_ =	shalt  }
0x62: {  	_ =	shalt  }
0x63: {  	_ =	shalt  }
0x64: {  	_ =	shalt  }
0x65: {  	_ =	shalt  }
0x66: {  	_ =	shalt  }
0x67: {  	_ =	shalt  }
0x68: {  	_ =	shalt  }
0x69: {  	_ =	shalt  }
0x6a: {  	_ =	shalt  }
0x6b: {  	_ =	shalt  }
0x6c: {  	_ =	shalt  }
0x6d: {  	_ =	shalt  }
0x6e: {  	_ =	shalt  }
0x6f: {  	_ =	shalt  }
0x70: {  	_ =	shalt  }
0x71: {  	_ =	shalt  }
0x72: {  	_ =	shalt  }
0x73: {  	_ =	shalt  }
0x74: {  	_ =	shalt  }
0x75: {  	_ =	shalt  }
0x76: {  	_ =	shalt  }
0x77: {  	_ =	shalt  }
0x78: {  	_ =	shalt  }
0x79: {  	_ =	shalt  }
0x7a: {  	_ =	shalt  }
0x7b: {  	_ =	shalt  }
0x7c: {  	_ =	shalt  }
0x7d: {  	_ =	shalt  }
0x7e: {  	_ =	shalt  }
0x7f: {  	_ =	shalt  }
0x80: {  	_ =	shalt  }
0x81: {  	_ =	shalt  }
0x82: {  	_ =	shalt  }
0x83: {  	_ =	shalt  }
0x84: {  	_ =	shalt  }
0x85: {  	_ =	shalt  }
0x86: {  	_ =	shalt  }
0x87: {  	_ =	shalt  }
.Lfunc_end0:
.L_simem_size_0:
called_computation.3_lowered:
.L_overlay_start_0:
0x88: {  	s2 =	sld [smem:$0x3FD9]  }
0x89: {  	s3 =	sld [smem:$0x3FFE];
	_ =	sdelay $0x1  }
0x8a: {  	s1 =	srdreg.scid  }
0x8b: {  	s0 =	sand.u32 $0x1, s1  }
0x8c: {  	s16 =	sshll.u32 s0, $0xA;
	s2 =	sadd.s32 s3, s2  }
0x8d: {  	s2 =	sadd.s32 s2, s16  }
0x8e: {  	[smem:$0x3FBD] =	sst s2  }
0x8f: {  	_ = 	snop  }
0x90: {  	(tm) =	ssettm $0x1  }
0x91: {  	s17 =	sld [smem:$0x3FFB];
	_ =	sdelay $0x3  }
0x92: {  	_ =	strace s17  }
0x93: {  	s2 =	sld [smem:$0x3FFC];
	_ =	sdelay $0x3  }
0x94: {  	_ =	strace s2  }
0x95: {  	s2 =	sld [smem:$0x3FFD];
	_ =	sdelay $0x3  }
0x96: {  	_ =	strace s2  }
0x97: {  	_ =	strace $0x8FFFFFFF  }
0x98: {  	s18 =	sld [smem:$0x3FDB];
	_ =	sdelay $0x1  }
0x99: {  	s19 =	simm.s32 $_scs_section_size  }
0x9a: {  	s4 =	simm.s32 $_size__tile_overlayer_lowered;
	s5 =	simm.s32 $_tile_overlayer_lowered  }
0x9b: {  	s22 =	simm.s32 $0x1BFF;
	s21 =	sshll.u32 s5, $0x1;
	s2 =	sadd.s32 s19, s18  }
0x9c: {  	s6 =	simm.s32 $0x0;
	s20 =	sshll.u32 s4, $0x1;
	s4 =	sadd.s32 s21, s2  }
0x9d: {  	[timem:s6], [sflag:s22] =	dma.local [hbm:s4], s20  }
0x9e: {  	_ =	swait.ge [sflag:s22], s20  }
0x9f: {  	s3 =	ssub.s32 $0x0, s20;
	[sflag:s22] =	ssyncset.done $0x0  }
0xa0: {  	[sflag:s22] =	ssyncadd.s32 s3;
	_ =	sdelay $0x1  }
0xa1: {  	s23 =	simm.s32 $0x1B8B  }
0xa2: {  	_ =	swait.ge [sflag:s23], $0x1  }
0xa3: {  	[sflag:s23] =	ssyncset.done $0x0  }
0xa4: {  	s25 =	simm.s32 $0x1B8E;
	s24 =	sld [smem:$0x3FFE];
	[sflag:s23] =	ssyncadd.s32 $0xFFFFFFFF  }
0xa5: {  	s26 =	simm.s32 $execute0_lowered;
	[smem:$0x3FD2] =	sst s25  }
0xa6: {  	s4 =	sshll.u32 s26, $0x1;
	_ =	strace $0x8000004F;
	[dreg:$0x1] =	wrdreg $0xFFFFFFFF  }
0xa7: {  	s28 =	simm.s32 $_size_execute0_lowered;
	s2 =	sadd.s32 s2, s4;
	[dreg:$0x0] =	wrdreg $0x0  }
0xa8: {  	s4 =	sshll.u32 s28, $0x1;
	[dreg:$0x2] =	wrdreg s2  }
0xa9: {  	[dreg:$0x3] =	wrdreg s4  }
0xaa: {  	[dreg:$0x4] =	wrdreg $0xC0  }
0xab: {  	_ =	task [dreg:s6], $0x5FFFF  }
0xac: {  	[dreg:$0x1] =	wrdreg $0xFFFFFFFF  }
0xad: {  	[dreg:$0x0] =	wrdreg $0x60  }
0xae: {  	[dreg:$0x2] =	wrdreg s24  }
0xaf: {  	[dreg:$0x3] =	wrdreg $0x116200  }
0xb0: {  	[dreg:$0x4] =	wrdreg $0x76200  }
0xb1: {  	[dreg:$0x5] =	wrdreg $0x9  }
0xb2: {  	_ =	task.clear_ibuf [dreg:s6], $0x6FFFF;
	_ =	strace $0x9000004F  }
0xb3: {  	s29 =	simm.s32 $0x9;
	_ =	strace $0x80000051  }
0xb4: {  	_ =	swait.ge [sflag:s29], $0x1  }
0xb5: {  	[sflag:s29] =	ssyncadd.s32 $0xFFFFFFFF  }
0xb6: {  	_ =	strace $0x90000051  }
0xb7: {  	_ =	sfence  }
0xb8: {  	s30 =	sld [smem:$0x0];
	_ =	sdelay $0x2  }
0xb9: {  	s31 =	sshll.u32 s1, $0xD;
	s1 =	sshrl.u32 s1, $0x2  }
0xba: {  	s3 =	sand.u32 $0x4000, s31;
	s1 =	sadd.s32 s1, s30  }
0xbb: {  	s0 =	sor.u32 s3, s0;
	s1 =	sshll.u32 s1, $0x11  }
0xbc: {  	s0 =	sor.u32 s1, s0  }
0xbd: {  	s0 =	sadd.s32 $0x8F2B, s0  }
0xbe: {  	[sflag:s0] =	ssyncadd.remote.s32 $0x1  }
0xbf: {  	_ =	sfence.sel $0xFFFF  }
0xc0: {  	[dreg:$0x0] =	wrdreg $0xFFFFFFFF;
	(pc) =	sbr.abs _section_cstart, $3  }
0xc1: {  	[dreg:$0x1] =	wrdreg $0xFFFFFFFF  }
0xc2: {  	_ =	task.clear_ibuf [dreg:s6], $0x2FFFF;
	_ =	strace $0x9FFFFFFF  }
0xc3: {  	(tm) =	ssettm $0x7FFFFFFF  }
tec
execute0_lowered:
.L_overlay_start_1:
0x0: {  	(tag) =	ssettag $0x1  }
0x1: {  	s9 =	rddreg [dreg:$0x0]  }
0x2: {  	s1 =	rddreg [dreg:$0x1]  }
0x3: {  	s0 =	srdreg.scid;
	s3 =	rddreg [dreg:$0x2]  }
0x4: {  	s2 =	stileid.u32;
	s4 =	simm.s32 $0x0;
	s17 =	simm.s32 $0x4DD0  }
0x5: {  	s18 =	simm.s32 $0x4;
	s5 =	sand.u32 $0x1, s0;
	s0 =	rddreg [dreg:$0x3]  }
0x6: {  	s7 =	smul.u32 $0xA000, s2;
	[smem:$0x7FF] =	sst s4;
	s31 =	sshll.u32 s2, $0x6  }
0x7: {  	s16 =	sadd.s32 $0xCC40, s9;
	s6 =	sshll.u32 s5, $0x4;
	s30 =	smul.u32 $0x14000, s5  }
0x8: {  	s5 =	ssub.s32 $0x2, s5;
	_ =	strace $0x80000050;
	s6 =	sor.u32 s2, s6  }
0x9: {  	s19 =	sshrl.u32 s7, $0x3;
	s10 =	sshrl.u32 s5, $0x1;
	s14 =	sadd.s32 s7, s1  }
0xa: {  	s15 =	sadd.s32 s7, s3;
	s13 =	smul.u32 $0x4E2, s6;
	s8 =	sadd.s32 s19, s9  }
0xb: {  	s12 =	sadd.s32 s30, s9;
	s10 =	ssub.s32 s5, s10;
	s6 =	sor.u32 $0x1C03, s31  }
0xc: {  	s5 =	sadd.s32 $0x2AA00, s8;
	s7 =	sadd.s32 $0x16A00, s8;
	s20 =	sadd.s32 $0x3EA00, s12  }
0xd: {  	s12 =	sshrl.u32 s15, $0x3;
	s15 =	simm.s32 $0x1;
	s11 =	sadd.s32 s13, s9  }
0xe: {  	s9 =	smax.u32 s10, $0x1;
	s10 =	sshrl.u32 s14, $0x3;
	s13 =	sadd.s32 s13, s16  }
0xf: {  	s14 =	simm.s32 $0x4E20;
	s16 =	simm.s32 $0x50;
	s19 =	sadd.s32 s19, s20  }
0x10: {  	s20 =	simm.s32 $0x0;
	s8 =	sadd.s32 $0x3000, s11;
	s11 =	simm.s32 $0x3  }
.LBB2_1:
0x11: {  	[spmem:s10], [sflag:s6] =	dma.local [hbm:s5], $0x1400  }
0x12: {  	_ =	swait.ge [sflag:s11], $0x1400  }
0x13: {  	[sflag:s11] =	ssyncset.done $0x0  }
0x14: {  	[sflag:s11] =	ssyncadd.s32 $0xFFFFEC00  }
0x15: {  	[spmem:s12], [sflag:s6] =	dma.local [hbm:s7], $0x1400  }
0x16: {  	_ =	swait.ge [sflag:s11], $0x1400  }
0x17: {  	[sflag:s11] =	ssyncset.done $0x0  }
0x18: {  	[sflag:s11] =	ssyncadd.s32 $0xFFFFEC00  }
0x19: {  	[tilespmem:s4], [sflag:$0x3] =	stream.linear.gather [hbm4b:s8+s4], $0x2710, $0x38;
	[tilespmem:$0x1B620] =	vst v63  }
0x1a: {  	_ =	swait.ge [sflag:s11], $0x2710  }
0x1b: {  	[sflag:s11] =	ssyncset.done $0x0  }
0x1c: {  	s21 =	simm.s32 $0x2710;
	[sflag:s11] =	ssyncadd.s32 $0xFFFFD8F0  }
0x1d: {  	[tilespmem:s21], [sflag:$0x3] =	stream.linear.gather [hbm4b:s13+s4], $0x2710, $0x38;
	[tilespmem:$0x1B620] =	vst v63  }
0x1e: {  	_ =	swait.ge [sflag:s11], $0x2710  }
0x1f: {  	s22 =	sand.u32 $0x1, s4;
	[sflag:s11] =	ssyncset.done $0x0  }
0x20: {  	p0 =	seq.s32 s22, $0x1;
	[sflag:s11] =	ssyncadd.s32 $0xFFFFD8F0  }
0x21: {  	s22 =	simm.s32 @p0 $0x2;
	[bflag:$0x0] =	sbarrier.arrive $0xFFFF  }
0x22: {  	[tilespmem:s14], [sflag:$0x1] =	stream.indirect.gather [spmem:s3], $0x40, s4, s16, $0xb8;
	[tilespmem:$0x1B620] =	vst v63  }
0x23: {  	_ =	swait.ge @p0 [sflag:s22], $0x1400  }
0x24: {  	[sflag:s22] =	ssyncset.done @p0 $0x0  }
0x25: {  	s23 =	simm.s32 @p0 $0x4E20;
	[sflag:s22] =	ssyncadd.s32 @p0 $0xFFFFEC00;
	s22 =	simm.s32 @p0 $0x50  }
0x26: {  	[tilespmem:s23], [sflag:$0x1] =	stream.indirect.gather @p0 [spmem:s3], $0x40, s16, s22, $0xb8;
	[tilespmem:$0x1B620] =	vst v63  }
0x27: {  	s24 =	simm.s32 @!p0 $0x1;
	s23 =	simm.s32 @p0 $0x6220  }
0x28: {  	[spmem:s1] =	stream.indirect.scatter.add.f32 @p0 [tilespmem:s23], [sflag:$0x3], $0x40, s21, s22, $0xb8;
	[tilespmem:$0x1B620] =	vst v63  }
0x29: {  	_ =	swait.ge @!p0 [sflag:s24], $0x1400  }
0x2a: {  	s23 =	simm.s32 @!p0 $0x4;
	[sflag:s24] =	ssyncset.done @!p0 $0x0  }
0x2b: {  	s22 =	simm.s32 @!p0 $0x50;
	[sflag:s24] =	ssyncadd.s32 @!p0 $0xFFFFEC00;
	s24 =	simm.s32 @!p0 $0x6220  }
0x2c: {  	[tilespmem:s24], [sflag:$0x2] =	stream.indirect.gather @!p0 [spmem:s3], $0x40, s16, s22, $0xb8;
	[tilespmem:$0x1B620] =	vst v63  }
0x2d: {  	s25 =	simm.s32 $0x1;
	s23 =	simm.s32 @p0 $0x3;
	s24 =	simm.s32 @!p0 $0x4E20  }
0x2e: {  	[spmem:s1] =	stream.indirect.scatter.add.f32 @!p0 [tilespmem:s24], [sflag:$0x4], $0x40, s21, s22, $0xb8;
	[tilespmem:$0x1B620] =	vst v63  }
0x2f: {  	s25 =	sand.u32 $0x1, s25;
	s24 =	simm.s32 $0x2;
	_ =	swait.ge [sflag:s23], $0x1400  }
0x30: {  	s21 =	simm.s32 $0xA0;
	s22 =	simm.s32 $0x2760;
	[sflag:s23] =	ssyncset.done $0x0  }
.LBB2_2:
0x31: {  	p1 =	seq.s32 s25, $0x1  }
0x32: {  	[sflag:s23] =	ssyncadd.s32 $0xFFFFEC00;
	s25 =	smov.u32 s24;
	s24 =	sadd.s32 $0x1, s24  }
0x33: {  	p0 =	sne.s32 s24, $0x7C;
	s26 =	simm.s32 @p1 $0x2;
	s23 =	simm.s32 @!p1 $0x4  }
0x34: {  	_ =	swait.ge @p1 [sflag:s26], $0x1400  }
0x35: {  	[sflag:s26] =	ssyncset.done @p1 $0x0  }
0x36: {  	s28 =	simm.s32 @p1 $0x4E20;
	[sflag:s26] =	ssyncadd.s32 @p1 $0xFFFFEC00;
	s26 =	simm.s32 @p1 $0x50  }
0x37: {  	[tilespmem:s28], [sflag:$0x1] =	stream.indirect.gather @p1 [spmem:s3], $0x40, s21, s26, $0xb8;
	[tilespmem:$0x1B620] =	vst v63  }
0x38: {  	s29 =	simm.s32 @!p1 $0x1;
	s28 =	simm.s32 @p1 $0x6220  }
0x39: {  	[spmem:s1] =	stream.indirect.scatter.add.f32 @p1 [tilespmem:s28], [sflag:$0x3], $0x40, s22, s26, $0xb8;
	[tilespmem:$0x1B620] =	vst v63  }
0x3a: {  	_ =	swait.ge @!p1 [sflag:s29], $0x1400  }
0x3b: {  	[sflag:s29] =	ssyncset.done @!p1 $0x0  }
0x3c: {  	s26 =	simm.s32 @!p1 $0x50;
	s28 =	simm.s32 @!p1 $0x6220;
	[sflag:s29] =	ssyncadd.s32 @!p1 $0xFFFFEC00  }
0x3d: {  	[tilespmem:s28], [sflag:$0x2] =	stream.indirect.gather @!p1 [spmem:s3], $0x40, s21, s26, $0xb8;
	[tilespmem:$0x1B620] =	vst v63  }
.Ltmp0:
0x3e: {  	_ = 	snop;
	(pc) =	sbr.rel @p0 .LBB2_2-.Ltmp0, $4  }
0x3f: {  	s23 =	simm.s32 @p1 $0x3;
	s28 =	simm.s32 @!p1 $0x4E20  }
0x40: {  	[spmem:s1] =	stream.indirect.scatter.add.f32 @!p1 [tilespmem:s28], [sflag:$0x4], $0x40, s22, s26, $0xb8;
	[tilespmem:$0x1B620] =	vst v63  }
0x41: {  	s21 =	sadd.s32 $0x50, s21;
	_ =	swait.ge [sflag:s23], $0x1400  }
0x42: {  	s25 =	sand.u32 $0x1, s25;
	s22 =	sadd.s32 $0x50, s22;
	[sflag:s23] =	ssyncset.done $0x0  }
0x43: {  	p0 =	seq.s32 s25, $0x1  }
0x44: {  	[sflag:s23] =	ssyncadd.s32 $0xFFFFEC00;
	s23 =	simm.s32 @p0 $0x2  }
0x45: {  	_ =	swait.ge @p0 [sflag:s23], $0x1400  }
0x46: {  	[sflag:s23] =	ssyncset.done @p0 $0x0  }
0x47: {  	s24 =	simm.s32 @p0 $0x4E20;
	[sflag:s23] =	ssyncadd.s32 @p0 $0xFFFFEC00;
	s23 =	simm.s32 @p0 $0x50  }
0x48: {  	[tilespmem:s24], [sflag:$0x1] =	stream.indirect.gather @p0 [spmem:s3], $0x40, s21, s23, $0xb8;
	[tilespmem:$0x1B620] =	vst v63  }
0x49: {  	s25 =	simm.s32 @!p0 $0x1;
	s24 =	simm.s32 @p0 $0x6220  }
0x4a: {  	[spmem:s1] =	stream.indirect.scatter.add.f32 @p0 [tilespmem:s24], [sflag:$0x3], $0x40, s22, s23, $0xb8;
	[tilespmem:$0x1B620] =	vst v63  }
0x4b: {  	_ =	swait.ge @!p0 [sflag:s25], $0x1400  }
0x4c: {  	s23 =	simm.s32 @!p0 $0x4;
	[sflag:s25] =	ssyncset.done @!p0 $0x0  }
0x4d: {  	s24 =	simm.s32 @!p0 $0x50;
	[sflag:s25] =	ssyncadd.s32 @!p0 $0xFFFFEC00;
	s25 =	simm.s32 @!p0 $0x6220  }
0x4e: {  	[tilespmem:s25], [sflag:$0x2] =	stream.indirect.gather @!p0 [spmem:s3], $0x40, s21, s24, $0xb8;
	[tilespmem:$0x1B620] =	vst v63  }
0x4f: {  	s23 =	simm.s32 @p0 $0x3;
	s21 =	simm.s32 @!p0 $0x4E20  }
0x50: {  	[spmem:s1] =	stream.indirect.scatter.add.f32 @!p0 [tilespmem:s21], [sflag:$0x4], $0x40, s22, s24, $0xb8;
	[tilespmem:$0x1B620] =	vst v63  }
0x51: {  	_ =	swait.ge [sflag:s23], $0x1400  }
0x52: {  	[sflag:s23] =	ssyncset.done $0x0  }
0x53: {  	[sflag:s23] =	ssyncadd.s32 $0xFFFFEC00  }
0x54: {  	_ =	swait.ge [sflag:s15], $0x1400  }
0x55: {  	[sflag:s15] =	ssyncset.done $0x0  }
0x56: {  	[sflag:s15] =	ssyncadd.s32 $0xFFFFEC00  }
0x57: {  	[spmem:s1] =	stream.indirect.scatter.add.f32 [tilespmem:s14], [sflag:$0x4], $0x40, s17, s16, $0xb8;
	[tilespmem:$0x1B620] =	vst v63  }
0x58: {  	_ =	swait.ge [sflag:s18], $0x1400  }
0x59: {  	s20 =	sadd.s32 $0x1, s20;
	[sflag:s18] =	ssyncset.done $0x0  }
0x5a: {  	p0 =	sne.s32 s20, s9;
	[sflag:s18] =	ssyncadd.s32 $0xFFFFEC00  }
.Ltmp1:
0x5b: {  	[bflag:$0x0] =	sbarrier.arrive $0xFFFF;
	(pc) =	sbr.rel @p0 .LBB2_1-.Ltmp1, $4  }
0x5c: {  	[hbm:s19], [sflag:s6] =	dma.local [spmem:s10], $0x1400  }
0x5d: {  	_ =	swait.ge [sflag:s11], $0x1400  }
0x5e: {  	[sflag:s11] =	ssyncset.done $0x0  }
0x5f: {  	[sflag:s11] =	ssyncadd.s32 $0xFFFFEC00  }
0x60: {  	_ =	sfence.sel $0x180000  }
0x61: {  	[bflag:$0x0] =	sbarrier.arrive $0xFFFF  }
0x62: {  	p0 =	sne.s32 s2, $0x0;
	_ =	strace $0x90000050  }
0x63: {  	s0 =	sadd.s32 @!p0 $0x100000, s0;
	[bflag:$0x2] =	sbarrier.arrive $0xFFFF  }
0x64: {  	[sflag:s0] =	ssyncadd.tile.s32 @!p0 $0x1;
	_ =	shalt  }
.Lfunc_end2:
_tile_overlayer_lowered:
.L_overlay_start_2:
0x65: {  	(tag) =	ssettag $0x2  }
0x66: {  	s0 =	rddreg [dreg:$0x0];
	s2 =	stileid.u32  }
0x67: {  	s1 =	rddreg [dreg:$0x1];
	p0 =	sne.s32 s2, $0x0  }
0x68: {  	s3 =	rddreg [dreg:$0x2];
	[bflag:$0x3] =	sbarrier.arrive $0xFFFF;
	s2 =	simm.s32 @!p0 $0x1C03  }
0x69: {  	[timem:s3], [sflag:s2] =	dma.local @!p0 [hbm:s0], s1  }
0x6a: {  	s0 =	simm.s32 @!p0 $0x3  }
0x6b: {  	_ =	swait.ge @!p0 [sflag:s0], s1  }
0x6c: {  	s1 =	ssub.s32 @!p0 $0x0, s1;
	[sflag:s0] =	ssyncset.done @!p0 $0x0  }
0x6d: {  	[sflag:s0] =	ssyncadd.s32 @!p0 s1  }
0x6e: {  	[bflag:$0x3] =	sbarrier.arrive $0xFFFF  }
0x6f: {  	_ =	shalt  }

</sc_bundles>
